<compile_context>
chip_gen: v7x
topology: tpu7x:2x2x1
jax: 0.10.2.dev20260603
libtpu: 0.0.44.dev20260713+nightly
codegen_flags: <defaults>
</compile_context>

<pallas_src>
import functools
import jax
import jax.numpy as jnp
from jax import lax
from jax.experimental import pallas as pl
from jax.experimental.pallas import tpu as pltpu
from jax.experimental.pallas import tpu_sc as plsc

_TCB = 768


def _probe_kernel(y_ref, x_ref, out_ref, s_ref):
    j = pl.program_id(0)
    nblk = pl.num_programs(0)
    bs = jnp.sum(x_ref[...], axis=1, keepdims=True)

    @pl.when(j == 0)
    def _init():
        s_ref[...] = bs

    @pl.when(j > 0)
    def _acc():
        s_ref[...] = s_ref[...] + bs

    @pl.when(j == nblk - 1)
    def _fin():
        out_ref[0, 0] = jnp.sum(s_ref[...])


def _sc_stream_body(n_cols, x_hbm, out_hbm, buf0, buf1, acc, sem0, sem1):
    wid = lax.axis_index("s") * 2 + lax.axis_index("c")
    r8 = pl.multiple_of(_TCB + wid * 8, 8)
    cw = 2048
    nch = n_cols // cw
    bufs = (buf0, buf1)
    sems = (sem0, sem1)

    def fire(k):
        c = pl.multiple_of(k * cw, 128)
        pltpu.async_copy(x_hbm.at[pl.ds(r8, 8), pl.ds(c, cw)],
                         bufs[k % 2], sems[k % 2])

    def drain(k):
        pltpu.make_async_copy(x_hbm.at[pl.ds(0, 8), pl.ds(0, cw)],
                              bufs[k % 2], sems[k % 2]).wait()

    fire(0)
    for k in range(nch):
        if k + 1 < nch:
            fire(k + 1)
        drain(k)
    acc[pl.ds(0, 16)] = buf0[0, pl.ds(0, 16)]
    pltpu.sync_copy(acc, out_hbm.at[pl.ds(wid * 16, 16)])


def _sc_stream(x):
    b, n = x.shape
    return pl.kernel(
        functools.partial(_sc_stream_body, n),
        mesh=plsc.VectorSubcoreMesh(core_axis_name="c", subcore_axis_name="s"),
        out_type=jax.ShapeDtypeStruct((512,), jnp.float32),
        scratch_types=[
            pltpu.VMEM((8, 2048), jnp.float32),
            pltpu.VMEM((8, 2048), jnp.float32),
            pltpu.VMEM((16,), jnp.float32),
            pltpu.SemaphoreType.DMA,
            pltpu.SemaphoreType.DMA,
        ],
    )(x)


def kernel(x, y):
    b, n = x.shape
    bc = 2048
    nblk = pl.cdiv(n, bc)
    y2 = y.reshape(b, 1).astype(jnp.int32)
    scout = _sc_stream(x)
    out = pl.pallas_call(
        _probe_kernel,
        grid=(nblk,),
        in_specs=[
            pl.BlockSpec((b, 1), lambda j: (0, 0)),
            pl.BlockSpec((_TCB, bc), lambda j: (0, j)),
        ],
        out_specs=pl.BlockSpec(memory_space=pltpu.SMEM),
        out_shape=jax.ShapeDtypeStruct((1, 1), jnp.float32),
        scratch_shapes=[
            pltpu.VMEM((_TCB, 1), jnp.float32),
        ],
        compiler_params=pltpu.CompilerParams(
            dimension_semantics=("arbitrary",),
        ),
    )(y2, x)
    return out[0, 0] + jnp.sum(scout) * 0.0

# --- scband reference (transcript-rebuilt; emitter-appended) ---
"""Pipeline reference for scband-smooth-top1-svmloss-47201690583337 (READ-ONLY COPY).

The authoritative reference and input builder live on the scoring server;
editing this copy changes nothing except your own understanding.
"""

import jax, jax.numpy as jnp
import numpy as np
from math import log

TAU = 1.0
ALPHA = 1.0
THRESH = 1000.0
NUM_CLASSES = 100000
BATCH = 1024


def setup_inputs(seed: int = 0) -> dict:
    key = jax.random.key(seed)
    k1, k2 = jax.random.split(key)
    x = jax.random.normal(k1, (BATCH, NUM_CLASSES), dtype=jnp.float32)
    y = jax.random.randint(k2, (BATCH,), 0, NUM_CLASSES, dtype=jnp.int64 if jax.config.jax_enable_x64 else jnp.int32)
    return {"x": x, "y": y}


def reference(x, y):
    tau = TAU
    alpha = ALPHA
    thresh = THRESH
    num_classes = x.shape[1]
    labels = jnp.arange(num_classes)

    top = jax.lax.top_k(x, 2)[0]
    hard = (top[:, 0] - top[:, 1]) >= (1 * tau * log(thresh))
    smooth = jnp.logical_not(hard)

    loss = jnp.float32(0.0)

    delta = (y[:, None] != labels[None, :]).astype(jnp.float32)
    gathered = jnp.take_along_axis(x, y[:, None], axis=1)

    x_mod = x + alpha * delta - gathered
    smooth_loss_all = tau * jax.scipy.special.logsumexp(x_mod / tau, axis=1)
    n_smooth = jnp.sum(smooth)
    smooth_sum = jnp.sum(smooth_loss_all * smooth.astype(jnp.float32))
    smooth_term = smooth_sum / jnp.maximum(n_smooth, 1)
    loss = loss + jnp.where(n_smooth > 0, smooth_term, jnp.float32(0.0))

    max_vals = (x + alpha * delta).max(axis=1)
    hard_loss_all = max_vals - gathered[:, 0]
    n_hard = jnp.sum(hard)
    hard_sum = jnp.sum(hard_loss_all * hard.astype(jnp.float32))
    hard_term = hard_sum / jnp.maximum(n_hard, 1)
    loss = loss + jnp.where(n_hard > 0, hard_term, jnp.float32(0.0))

    return jnp.asarray(loss)

if __name__ == "__main__":
    import jax
    _d = setup_inputs()
    print(jax.jit(kernel)(*tuple(_d.values())))

</pallas_src>

<mosaic_0001>
#map = affine_map<(d0, d1) -> (0, 0)>
#map1 = affine_map<(d0, d1) -> (0)>
module attributes {stable_mosaic.version = 14 : i64} {
  func.func @_sc_stream_body(%arg0: i32, %arg1: i32, %arg2: memref<1024x100000xf32, #tpu.memory_space<hbm>>, %arg3: memref<512xf32, #tpu.memory_space<hbm>>, %arg4: memref<8x2048xf32, #tpu.memory_space<vmem>>, %arg5: memref<8x2048xf32, #tpu.memory_space<vmem>>, %arg6: memref<16xf32, #tpu.memory_space<vmem>>, %arg7: memref<!tpu.dma_semaphore, #tpu.memory_space<semaphore_mem>>, %arg8: memref<!tpu.dma_semaphore, #tpu.memory_space<semaphore_mem>>) attributes {dimension_semantics = [#tpu.dimension_semantics<core_parallel>, #tpu.dimension_semantics<subcore_parallel>], iteration_bounds = array<i64: 2, 16>, scalar_prefetch = 0 : i64, scratch_operands = 5 : i64, tpu.core_type = #tpu.core_type<sc_vector_subcore>, window_params = [{transform_indices = #map}, {transform_indices = #map1}]} {
    %mul3A = arith.constant 2 : i32
    %mul3A_0 = arith.muli %arg1, %mul3A : i32
    %add3A = arith.addi %mul3A_0, %arg0 : i32
    %mul3A_1 = arith.constant 8 : i32
    %mul3A_2 = arith.muli %add3A, %mul3A_1 : i32
    %add3A_3 = arith.constant 768 : i32
    %add3A_4 = arith.addi %add3A_3, %mul3A_2 : i32
    %multiple_of3A = tpu.assume_multiple %add3A_4, 8 : i32
    %multiple_of3A_5 = arith.constant 0 : i32
    %multiple_of3A_6 = tpu.assume_multiple %multiple_of3A_5, 128 : i32
    %dma_start3A = tpu.memref_slice %arg2[%multiple_of3A, %multiple_of3A_6] : memref<1024x100000xf32, #tpu.memory_space<hbm>> -> memref<8x2048xf32, #tpu.memory_space<hbm>>
    %dma_start3A_7 = tpu.memref_slice %arg2[%multiple_of3A, %multiple_of3A_6] : memref<1024x100000xf32, #tpu.memory_space<hbm>> -> memref<8x2048xf32, #tpu.memory_space<hbm>>
    tpu.enqueue_dma source(%dma_start3A_7 : memref<8x2048xf32, #tpu.memory_space<hbm>>) target(%arg4 : memref<8x2048xf32, #tpu.memory_space<vmem>>) target_semaphore(%arg7 : memref<!tpu.dma_semaphore, #tpu.memory_space<semaphore_mem>>)
    %multiple_of3A_8 = arith.constant 2048 : i32
    %multiple_of3A_9 = tpu.assume_multiple %multiple_of3A_8, 128 : i32
    %dma_start3A_10 = tpu.memref_slice %arg2[%multiple_of3A, %multiple_of3A_9] : memref<1024x100000xf32, #tpu.memory_space<hbm>> -> memref<8x2048xf32, #tpu.memory_space<hbm>>
    %dma_start3A_11 = tpu.memref_slice %arg2[%multiple_of3A, %multiple_of3A_9] : memref<1024x100000xf32, #tpu.memory_space<hbm>> -> memref<8x2048xf32, #tpu.memory_space<hbm>>
    tpu.enqueue_dma source(%dma_start3A_11 : memref<8x2048xf32, #tpu.memory_space<hbm>>) target(%arg5 : memref<8x2048xf32, #tpu.memory_space<vmem>>) target_semaphore(%arg8 : memref<!tpu.dma_semaphore, #tpu.memory_space<semaphore_mem>>)
    %dma_wait3A = arith.constant 0 : i32
    %dma_wait3A_12 = arith.constant 0 : i32
    %dma_wait3A_13 = tpu.memref_slice %arg2[%dma_wait3A, %dma_wait3A_12] : memref<1024x100000xf32, #tpu.memory_space<hbm>> -> memref<8x2048xf32, #tpu.memory_space<hbm>>
    %dma_wait3A_14 = arith.constant 0 : i32
    %dma_wait3A_15 = arith.constant 0 : i32
    %dma_wait3A_16 = tpu.memref_slice %arg2[%dma_wait3A_14, %dma_wait3A_15] : memref<1024x100000xf32, #tpu.memory_space<hbm>> -> memref<8x2048xf32, #tpu.memory_space<hbm>>
    tpu.wait_dma2 semaphore(%arg7 : memref<!tpu.dma_semaphore, #tpu.memory_space<semaphore_mem>>) src(%dma_wait3A_16 : memref<8x2048xf32, #tpu.memory_space<hbm>>) dst(%arg4 : memref<8x2048xf32, #tpu.memory_space<vmem>>)
    %multiple_of3A_17 = arith.constant 4096 : i32
    %multiple_of3A_18 = tpu.assume_multiple %multiple_of3A_17, 128 : i32
    %dma_start3A_19 = tpu.memref_slice %arg2[%multiple_of3A, %multiple_of3A_18] : memref<1024x100000xf32, #tpu.memory_space<hbm>> -> memref<8x2048xf32, #tpu.memory_space<hbm>>
    %dma_start3A_20 = tpu.memref_slice %arg2[%multiple_of3A, %multiple_of3A_18] : memref<1024x100000xf32, #tpu.memory_space<hbm>> -> memref<8x2048xf32, #tpu.memory_space<hbm>>
    tpu.enqueue_dma source(%dma_start3A_20 : memref<8x2048xf32, #tpu.memory_space<hbm>>) target(%arg4 : memref<8x2048xf32, #tpu.memory_space<vmem>>) target_semaphore(%arg7 : memref<!tpu.dma_semaphore, #tpu.memory_space<semaphore_mem>>)
    %dma_wait3A_21 = arith.constant 0 : i32
    %dma_wait3A_22 = arith.constant 0 : i32
    %dma_wait3A_23 = tpu.memref_slice %arg2[%dma_wait3A_21, %dma_wait3A_22] : memref<1024x100000xf32, #tpu.memory_space<hbm>> -> memref<8x2048xf32, #tpu.memory_space<hbm>>
    %dma_wait3A_24 = arith.constant 0 : i32
    %dma_wait3A_25 = arith.constant 0 : i32
    %dma_wait3A_26 = tpu.memref_slice %arg2[%dma_wait3A_24, %dma_wait3A_25] : memref<1024x100000xf32, #tpu.memory_space<hbm>> -> memref<8x2048xf32, #tpu.memory_space<hbm>>
    tpu.wait_dma2 semaphore(%arg8 : memref<!tpu.dma_semaphore, #tpu.memory_space<semaphore_mem>>) src(%dma_wait3A_26 : memref<8x2048xf32, #tpu.memory_space<hbm>>) dst(%arg5 : memref<8x2048xf32, #tpu.memory_space<vmem>>)
    %multiple_of3A_27 = arith.constant 6144 : i32
    %multiple_of3A_28 = tpu.assume_multiple %multiple_of3A_27, 128 : i32
    %dma_start3A_29 = tpu.memref_slice %arg2[%multiple_of3A, %multiple_of3A_28] : memref<1024x100000xf32, #tpu.memory_space<hbm>> -> memref<8x2048xf32, #tpu.memory_space<hbm>>
    %dma_start3A_30 = tpu.memref_slice %arg2[%multiple_of3A, %multiple_of3A_28] : memref<1024x100000xf32, #tpu.memory_space<hbm>> -> memref<8x2048xf32, #tpu.memory_space<hbm>>
    tpu.enqueue_dma source(%dma_start3A_30 : memref<8x2048xf32, #tpu.memory_space<hbm>>) target(%arg5 : memref<8x2048xf32, #tpu.memory_space<vmem>>) target_semaphore(%arg8 : memref<!tpu.dma_semaphore, #tpu.memory_space<semaphore_mem>>)
    %dma_wait3A_31 = arith.constant 0 : i32
    %dma_wait3A_32 = arith.constant 0 : i32
    %dma_wait3A_33 = tpu.memref_slice %arg2[%dma_wait3A_31, %dma_wait3A_32] : memref<1024x100000xf32, #tpu.memory_space<hbm>> -> memref<8x2048xf32, #tpu.memory_space<hbm>>
    %dma_wait3A_34 = arith.constant 0 : i32
    %dma_wait3A_35 = arith.constant 0 : i32
    %dma_wait3A_36 = tpu.memref_slice %arg2[%dma_wait3A_34, %dma_wait3A_35] : memref<1024x100000xf32, #tpu.memory_space<hbm>> -> memref<8x2048xf32, #tpu.memory_space<hbm>>
    tpu.wait_dma2 semaphore(%arg7 : memref<!tpu.dma_semaphore, #tpu.memory_space<semaphore_mem>>) src(%dma_wait3A_36 : memref<8x2048xf32, #tpu.memory_space<hbm>>) dst(%arg4 : memref<8x2048xf32, #tpu.memory_space<vmem>>)
    %multiple_of3A_37 = arith.constant 8192 : i32
    %multiple_of3A_38 = tpu.assume_multiple %multiple_of3A_37, 128 : i32
    %dma_start3A_39 = tpu.memref_slice %arg2[%multiple_of3A, %multiple_of3A_38] : memref<1024x100000xf32, #tpu.memory_space<hbm>> -> memref<8x2048xf32, #tpu.memory_space<hbm>>
    %dma_start3A_40 = tpu.memref_slice %arg2[%multiple_of3A, %multiple_of3A_38] : memref<1024x100000xf32, #tpu.memory_space<hbm>> -> memref<8x2048xf32, #tpu.memory_space<hbm>>
    tpu.enqueue_dma source(%dma_start3A_40 : memref<8x2048xf32, #tpu.memory_space<hbm>>) target(%arg4 : memref<8x2048xf32, #tpu.memory_space<vmem>>) target_semaphore(%arg7 : memref<!tpu.dma_semaphore, #tpu.memory_space<semaphore_mem>>)
    %dma_wait3A_41 = arith.constant 0 : i32
    %dma_wait3A_42 = arith.constant 0 : i32
    %dma_wait3A_43 = tpu.memref_slice %arg2[%dma_wait3A_41, %dma_wait3A_42] : memref<1024x100000xf32, #tpu.memory_space<hbm>> -> memref<8x2048xf32, #tpu.memory_space<hbm>>
    %dma_wait3A_44 = arith.constant 0 : i32
    %dma_wait3A_45 = arith.constant 0 : i32
    %dma_wait3A_46 = tpu.memref_slice %arg2[%dma_wait3A_44, %dma_wait3A_45] : memref<1024x100000xf32, #tpu.memory_space<hbm>> -> memref<8x2048xf32, #tpu.memory_space<hbm>>
    tpu.wait_dma2 semaphore(%arg8 : memref<!tpu.dma_semaphore, #tpu.memory_space<semaphore_mem>>) src(%dma_wait3A_46 : memref<8x2048xf32, #tpu.memory_space<hbm>>) dst(%arg5 : memref<8x2048xf32, #tpu.memory_space<vmem>>)
    %multiple_of3A_47 = arith.constant 10240 : i32
    %multiple_of3A_48 = tpu.assume_multiple %multiple_of3A_47, 128 : i32
    %dma_start3A_49 = tpu.memref_slice %arg2[%multiple_of3A, %multiple_of3A_48] : memref<1024x100000xf32, #tpu.memory_space<hbm>> -> memref<8x2048xf32, #tpu.memory_space<hbm>>
    %dma_start3A_50 = tpu.memref_slice %arg2[%multiple_of3A, %multiple_of3A_48] : memref<1024x100000xf32, #tpu.memory_space<hbm>> -> memref<8x2048xf32, #tpu.memory_space<hbm>>
    tpu.enqueue_dma source(%dma_start3A_50 : memref<8x2048xf32, #tpu.memory_space<hbm>>) target(%arg5 : memref<8x2048xf32, #tpu.memory_space<vmem>>) target_semaphore(%arg8 : memref<!tpu.dma_semaphore, #tpu.memory_space<semaphore_mem>>)
    %dma_wait3A_51 = arith.constant 0 : i32
    %dma_wait3A_52 = arith.constant 0 : i32
    %dma_wait3A_53 = tpu.memref_slice %arg2[%dma_wait3A_51, %dma_wait3A_52] : memref<1024x100000xf32, #tpu.memory_space<hbm>> -> memref<8x2048xf32, #tpu.memory_space<hbm>>
    %dma_wait3A_54 = arith.constant 0 : i32
    %dma_wait3A_55 = arith.constant 0 : i32
    %dma_wait3A_56 = tpu.memref_slice %arg2[%dma_wait3A_54, %dma_wait3A_55] : memref<1024x100000xf32, #tpu.memory_space<hbm>> -> memref<8x2048xf32, #tpu.memory_space<hbm>>
    tpu.wait_dma2 semaphore(%arg7 : memref<!tpu.dma_semaphore, #tpu.memory_space<semaphore_mem>>) src(%dma_wait3A_56 : memref<8x2048xf32, #tpu.memory_space<hbm>>) dst(%arg4 : memref<8x2048xf32, #tpu.memory_space<vmem>>)
    %multiple_of3A_57 = arith.constant 12288 : i32
    %multiple_of3A_58 = tpu.assume_multiple %multiple_of3A_57, 128 : i32
    %dma_start3A_59 = tpu.memref_slice %arg2[%multiple_of3A, %multiple_of3A_58] : memref<1024x100000xf32, #tpu.memory_space<hbm>> -> memref<8x2048xf32, #tpu.memory_space<hbm>>
    %dma_start3A_60 = tpu.memref_slice %arg2[%multiple_of3A, %multiple_of3A_58] : memref<1024x100000xf32, #tpu.memory_space<hbm>> -> memref<8x2048xf32, #tpu.memory_space<hbm>>
    tpu.enqueue_dma source(%dma_start3A_60 : memref<8x2048xf32, #tpu.memory_space<hbm>>) target(%arg4 : memref<8x2048xf32, #tpu.memory_space<vmem>>) target_semaphore(%arg7 : memref<!tpu.dma_semaphore, #tpu.memory_space<semaphore_mem>>)
    %dma_wait3A_61 = arith.constant 0 : i32
    %dma_wait3A_62 = arith.constant 0 : i32
    %dma_wait3A_63 = tpu.memref_slice %arg2[%dma_wait3A_61, %dma_wait3A_62] : memref<1024x100000xf32, #tpu.memory_space<hbm>> -> memref<8x2048xf32, #tpu.memory_space<hbm>>
    %dma_wait3A_64 = arith.constant 0 : i32
    %dma_wait3A_65 = arith.constant 0 : i32
    %dma_wait3A_66 = tpu.memref_slice %arg2[%dma_wait3A_64, %dma_wait3A_65] : memref<1024x100000xf32, #tpu.memory_space<hbm>> -> memref<8x2048xf32, #tpu.memory_space<hbm>>
    tpu.wait_dma2 semaphore(%arg8 : memref<!tpu.dma_semaphore, #tpu.memory_space<semaphore_mem>>) src(%dma_wait3A_66 : memref<8x2048xf32, #tpu.memory_space<hbm>>) dst(%arg5 : memref<8x2048xf32, #tpu.memory_space<vmem>>)
    %multiple_of3A_67 = arith.constant 14336 : i32
    %multiple_of3A_68 = tpu.assume_multiple %multiple_of3A_67, 128 : i32
    %dma_start3A_69 = tpu.memref_slice %arg2[%multiple_of3A, %multiple_of3A_68] : memref<1024x100000xf32, #tpu.memory_space<hbm>> -> memref<8x2048xf32, #tpu.memory_space<hbm>>
    %dma_start3A_70 = tpu.memref_slice %arg2[%multiple_of3A, %multiple_of3A_68] : memref<1024x100000xf32, #tpu.memory_space<hbm>> -> memref<8x2048xf32, #tpu.memory_space<hbm>>
    tpu.enqueue_dma source(%dma_start3A_70 : memref<8x2048xf32, #tpu.memory_space<hbm>>) target(%arg5 : memref<8x2048xf32, #tpu.memory_space<vmem>>) target_semaphore(%arg8 : memref<!tpu.dma_semaphore, #tpu.memory_space<semaphore_mem>>)
    %dma_wait3A_71 = arith.constant 0 : i32
    %dma_wait3A_72 = arith.constant 0 : i32
    %dma_wait3A_73 = tpu.memref_slice %arg2[%dma_wait3A_71, %dma_wait3A_72] : memref<1024x100000xf32, #tpu.memory_space<hbm>> -> memref<8x2048xf32, #tpu.memory_space<hbm>>
    %dma_wait3A_74 = arith.constant 0 : i32
    %dma_wait3A_75 = arith.constant 0 : i32
    %dma_wait3A_76 = tpu.memref_slice %arg2[%dma_wait3A_74, %dma_wait3A_75] : memref<1024x100000xf32, #tpu.memory_space<hbm>> -> memref<8x2048xf32, #tpu.memory_space<hbm>>
    tpu.wait_dma2 semaphore(%arg7 : memref<!tpu.dma_semaphore, #tpu.memory_space<semaphore_mem>>) src(%dma_wait3A_76 : memref<8x2048xf32, #tpu.memory_space<hbm>>) dst(%arg4 : memref<8x2048xf32, #tpu.memory_space<vmem>>)
    %multiple_of3A_77 = arith.constant 16384 : i32
    %multiple_of3A_78 = tpu.assume_multiple %multiple_of3A_77, 128 : i32
    %dma_start3A_79 = tpu.memref_slice %arg2[%multiple_of3A, %multiple_of3A_78] : memref<1024x100000xf32, #tpu.memory_space<hbm>> -> memref<8x2048xf32, #tpu.memory_space<hbm>>
    %dma_start3A_80 = tpu.memref_slice %arg2[%multiple_of3A, %multiple_of3A_78] : memref<1024x100000xf32, #tpu.memory_space<hbm>> -> memref<8x2048xf32, #tpu.memory_space<hbm>>
    tpu.enqueue_dma source(%dma_start3A_80 : memref<8x2048xf32, #tpu.memory_space<hbm>>) target(%arg4 : memref<8x2048xf32, #tpu.memory_space<vmem>>) target_semaphore(%arg7 : memref<!tpu.dma_semaphore, #tpu.memory_space<semaphore_mem>>)
    %dma_wait3A_81 = arith.constant 0 : i32
    %dma_wait3A_82 = arith.constant 0 : i32
    %dma_wait3A_83 = tpu.memref_slice %arg2[%dma_wait3A_81, %dma_wait3A_82] : memref<1024x100000xf32, #tpu.memory_space<hbm>> -> memref<8x2048xf32, #tpu.memory_space<hbm>>
    %dma_wait3A_84 = arith.constant 0 : i32
    %dma_wait3A_85 = arith.constant 0 : i32
    %dma_wait3A_86 = tpu.memref_slice %arg2[%dma_wait3A_84, %dma_wait3A_85] : memref<1024x100000xf32, #tpu.memory_space<hbm>> -> memref<8x2048xf32, #tpu.memory_space<hbm>>
    tpu.wait_dma2 semaphore(%arg8 : memref<!tpu.dma_semaphore, #tpu.memory_space<semaphore_mem>>) src(%dma_wait3A_86 : memref<8x2048xf32, #tpu.memory_space<hbm>>) dst(%arg5 : memref<8x2048xf32, #tpu.memory_space<vmem>>)
    %multiple_of3A_87 = arith.constant 18432 : i32
    %multiple_of3A_88 = tpu.assume_multiple %multiple_of3A_87, 128 : i32
    %dma_start3A_89 = tpu.memref_slice %arg2[%multiple_of3A, %multiple_of3A_88] : memref<1024x100000xf32, #tpu.memory_space<hbm>> -> memref<8x2048xf32, #tpu.memory_space<hbm>>
    %dma_start3A_90 = tpu.memref_slice %arg2[%multiple_of3A, %multiple_of3A_88] : memref<1024x100000xf32, #tpu.memory_space<hbm>> -> memref<8x2048xf32, #tpu.memory_space<hbm>>
    tpu.enqueue_dma source(%dma_start3A_90 : memref<8x2048xf32, #tpu.memory_space<hbm>>) target(%arg5 : memref<8x2048xf32, #tpu.memory_space<vmem>>) target_semaphore(%arg8 : memref<!tpu.dma_semaphore, #tpu.memory_space<semaphore_mem>>)
    %dma_wait3A_91 = arith.constant 0 : i32
    %dma_wait3A_92 = arith.constant 0 : i32
    %dma_wait3A_93 = tpu.memref_slice %arg2[%dma_wait3A_91, %dma_wait3A_92] : memref<1024x100000xf32, #tpu.memory_space<hbm>> -> memref<8x2048xf32, #tpu.memory_space<hbm>>
    %dma_wait3A_94 = arith.constant 0 : i32
    %dma_wait3A_95 = arith.constant 0 : i32
    %dma_wait3A_96 = tpu.memref_slice %arg2[%dma_wait3A_94, %dma_wait3A_95] : memref<1024x100000xf32, #tpu.memory_space<hbm>> -> memref<8x2048xf32, #tpu.memory_space<hbm>>
    tpu.wait_dma2 semaphore(%arg7 : memref<!tpu.dma_semaphore, #tpu.memory_space<semaphore_mem>>) src(%dma_wait3A_96 : memref<8x2048xf32, #tpu.memory_space<hbm>>) dst(%arg4 : memref<8x2048xf32, #tpu.memory_space<vmem>>)
    %multiple_of3A_97 = arith.constant 20480 : i32
    %multiple_of3A_98 = tpu.assume_multiple %multiple_of3A_97, 128 : i32
    %dma_start3A_99 = tpu.memref_slice %arg2[%multiple_of3A, %multiple_of3A_98] : memref<1024x100000xf32, #tpu.memory_space<hbm>> -> memref<8x2048xf32, #tpu.memory_space<hbm>>
    %dma_start3A_100 = tpu.memref_slice %arg2[%multiple_of3A, %multiple_of3A_98] : memref<1024x100000xf32, #tpu.memory_space<hbm>> -> memref<8x2048xf32, #tpu.memory_space<hbm>>
    tpu.enqueue_dma source(%dma_start3A_100 : memref<8x2048xf32, #tpu.memory_space<hbm>>) target(%arg4 : memref<8x2048xf32, #tpu.memory_space<vmem>>) target_semaphore(%arg7 : memref<!tpu.dma_semaphore, #tpu.memory_space<semaphore_mem>>)
    %dma_wait3A_101 = arith.constant 0 : i32
    %dma_wait3A_102 = arith.constant 0 : i32
    %dma_wait3A_103 = tpu.memref_slice %arg2[%dma_wait3A_101, %dma_wait3A_102] : memref<1024x100000xf32, #tpu.memory_space<hbm>> -> memref<8x2048xf32, #tpu.memory_space<hbm>>
    %dma_wait3A_104 = arith.constant 0 : i32
    %dma_wait3A_105 = arith.constant 0 : i32
    %dma_wait3A_106 = tpu.memref_slice %arg2[%dma_wait3A_104, %dma_wait3A_105] : memref<1024x100000xf32, #tpu.memory_space<hbm>> -> memref<8x2048xf32, #tpu.memory_space<hbm>>
    tpu.wait_dma2 semaphore(%arg8 : memref<!tpu.dma_semaphore, #tpu.memory_space<semaphore_mem>>) src(%dma_wait3A_106 : memref<8x2048xf32, #tpu.memory_space<hbm>>) dst(%arg5 : memref<8x2048xf32, #tpu.memory_space<vmem>>)
    %multiple_of3A_107 = arith.constant 22528 : i32
    %multiple_of3A_108 = tpu.assume_multiple %multiple_of3A_107, 128 : i32
    %dma_start3A_109 = tpu.memref_slice %arg2[%multiple_of3A, %multiple_of3A_108] : memref<1024x100000xf32, #tpu.memory_space<hbm>> -> memref<8x2048xf32, #tpu.memory_space<hbm>>
    %dma_start3A_110 = tpu.memref_slice %arg2[%multiple_of3A, %multiple_of3A_108] : memref<1024x100000xf32, #tpu.memory_space<hbm>> -> memref<8x2048xf32, #tpu.memory_space<hbm>>
    tpu.enqueue_dma source(%dma_start3A_110 : memref<8x2048xf32, #tpu.memory_space<hbm>>) target(%arg5 : memref<8x2048xf32, #tpu.memory_space<vmem>>) target_semaphore(%arg8 : memref<!tpu.dma_semaphore, #tpu.memory_space<semaphore_mem>>)
    %dma_wait3A_111 = arith.constant 0 : i32
    %dma_wait3A_112 = arith.constant 0 : i32
    %dma_wait3A_113 = tpu.memref_slice %arg2[%dma_wait3A_111, %dma_wait3A_112] : memref<1024x100000xf32, #tpu.memory_space<hbm>> -> memref<8x2048xf32, #tpu.memory_space<hbm>>
    %dma_wait3A_114 = arith.constant 0 : i32
    %dma_wait3A_115 = arith.constant 0 : i32
    %dma_wait3A_116 = tpu.memref_slice %arg2[%dma_wait3A_114, %dma_wait3A_115] : memref<1024x100000xf32, #tpu.memory_space<hbm>> -> memref<8x2048xf32, #tpu.memory_space<hbm>>
    tpu.wait_dma2 semaphore(%arg7 : memref<!tpu.dma_semaphore, #tpu.memory_space<semaphore_mem>>) src(%dma_wait3A_116 : memref<8x2048xf32, #tpu.memory_space<hbm>>) dst(%arg4 : memref<8x2048xf32, #tpu.memory_space<vmem>>)
    %multiple_of3A_117 = arith.constant 24576 : i32
    %multiple_of3A_118 = tpu.assume_multiple %multiple_of3A_117, 128 : i32
    %dma_start3A_119 = tpu.memref_slice %arg2[%multiple_of3A, %multiple_of3A_118] : memref<1024x100000xf32, #tpu.memory_space<hbm>> -> memref<8x2048xf32, #tpu.memory_space<hbm>>
    %dma_start3A_120 = tpu.memref_slice %arg2[%multiple_of3A, %multiple_of3A_118] : memref<1024x100000xf32, #tpu.memory_space<hbm>> -> memref<8x2048xf32, #tpu.memory_space<hbm>>
    tpu.enqueue_dma source(%dma_start3A_120 : memref<8x2048xf32, #tpu.memory_space<hbm>>) target(%arg4 : memref<8x2048xf32, #tpu.memory_space<vmem>>) target_semaphore(%arg7 : memref<!tpu.dma_semaphore, #tpu.memory_space<semaphore_mem>>)
    %dma_wait3A_121 = arith.constant 0 : i32
    %dma_wait3A_122 = arith.constant 0 : i32
    %dma_wait3A_123 = tpu.memref_slice %arg2[%dma_wait3A_121, %dma_wait3A_122] : memref<1024x100000xf32, #tpu.memory_space<hbm>> -> memref<8x2048xf32, #tpu.memory_space<hbm>>
    %dma_wait3A_124 = arith.constant 0 : i32
    %dma_wait3A_125 = arith.constant 0 : i32
    %dma_wait3A_126 = tpu.memref_slice %arg2[%dma_wait3A_124, %dma_wait3A_125] : memref<1024x100000xf32, #tpu.memory_space<hbm>> -> memref<8x2048xf32, #tpu.memory_space<hbm>>
    tpu.wait_dma2 semaphore(%arg8 : memref<!tpu.dma_semaphore, #tpu.memory_space<semaphore_mem>>) src(%dma_wait3A_126 : memref<8x2048xf32, #tpu.memory_space<hbm>>) dst(%arg5 : memref<8x2048xf32, #tpu.memory_space<vmem>>)
    %multiple_of3A_127 = arith.constant 26624 : i32
    %multiple_of3A_128 = tpu.assume_multiple %multiple_of3A_127, 128 : i32
    %dma_start3A_129 = tpu.memref_slice %arg2[%multiple_of3A, %multiple_of3A_128] : memref<1024x100000xf32, #tpu.memory_space<hbm>> -> memref<8x2048xf32, #tpu.memory_space<hbm>>
    %dma_start3A_130 = tpu.memref_slice %arg2[%multiple_of3A, %multiple_of3A_128] : memref<1024x100000xf32, #tpu.memory_space<hbm>> -> memref<8x2048xf32, #tpu.memory_space<hbm>>
    tpu.enqueue_dma source(%dma_start3A_130 : memref<8x2048xf32, #tpu.memory_space<hbm>>) target(%arg5 : memref<8x2048xf32, #tpu.memory_space<vmem>>) target_semaphore(%arg8 : memref<!tpu.dma_semaphore, #tpu.memory_space<semaphore_mem>>)
    %dma_wait3A_131 = arith.constant 0 : i32
    %dma_wait3A_132 = arith.constant 0 : i32
    %dma_wait3A_133 = tpu.memref_slice %arg2[%dma_wait3A_131, %dma_wait3A_132] : memref<1024x100000xf32, #tpu.memory_space<hbm>> -> memref<8x2048xf32, #tpu.memory_space<hbm>>
    %dma_wait3A_134 = arith.constant 0 : i32
    %dma_wait3A_135 = arith.constant 0 : i32
    %dma_wait3A_136 = tpu.memref_slice %arg2[%dma_wait3A_134, %dma_wait3A_135] : memref<1024x100000xf32, #tpu.memory_space<hbm>> -> memref<8x2048xf32, #tpu.memory_space<hbm>>
    tpu.wait_dma2 semaphore(%arg7 : memref<!tpu.dma_semaphore, #tpu.memory_space<semaphore_mem>>) src(%dma_wait3A_136 : memref<8x2048xf32, #tpu.memory_space<hbm>>) dst(%arg4 : memref<8x2048xf32, #tpu.memory_space<vmem>>)
    %multiple_of3A_137 = arith.constant 28672 : i32
    %multiple_of3A_138 = tpu.assume_multiple %multiple_of3A_137, 128 : i32
    %dma_start3A_139 = tpu.memref_slice %arg2[%multiple_of3A, %multiple_of3A_138] : memref<1024x100000xf32, #tpu.memory_space<hbm>> -> memref<8x2048xf32, #tpu.memory_space<hbm>>
    %dma_start3A_140 = tpu.memref_slice %arg2[%multiple_of3A, %multiple_of3A_138] : memref<1024x100000xf32, #tpu.memory_space<hbm>> -> memref<8x2048xf32, #tpu.memory_space<hbm>>
    tpu.enqueue_dma source(%dma_start3A_140 : memref<8x2048xf32, #tpu.memory_space<hbm>>) target(%arg4 : memref<8x2048xf32, #tpu.memory_space<vmem>>) target_semaphore(%arg7 : memref<!tpu.dma_semaphore, #tpu.memory_space<semaphore_mem>>)
    %dma_wait3A_141 = arith.constant 0 : i32
    %dma_wait3A_142 = arith.constant 0 : i32
    %dma_wait3A_143 = tpu.memref_slice %arg2[%dma_wait3A_141, %dma_wait3A_142] : memref<1024x100000xf32, #tpu.memory_space<hbm>> -> memref<8x2048xf32, #tpu.memory_space<hbm>>
    %dma_wait3A_144 = arith.constant 0 : i32
    %dma_wait3A_145 = arith.constant 0 : i32
    %dma_wait3A_146 = tpu.memref_slice %arg2[%dma_wait3A_144, %dma_wait3A_145] : memref<1024x100000xf32, #tpu.memory_space<hbm>> -> memref<8x2048xf32, #tpu.memory_space<hbm>>
    tpu.wait_dma2 semaphore(%arg8 : memref<!tpu.dma_semaphore, #tpu.memory_space<semaphore_mem>>) src(%dma_wait3A_146 : memref<8x2048xf32, #tpu.memory_space<hbm>>) dst(%arg5 : memref<8x2048xf32, #tpu.memory_space<vmem>>)
    %multiple_of3A_147 = arith.constant 30720 : i32
    %multiple_of3A_148 = tpu.assume_multiple %multiple_of3A_147, 128 : i32
    %dma_start3A_149 = tpu.memref_slice %arg2[%multiple_of3A, %multiple_of3A_148] : memref<1024x100000xf32, #tpu.memory_space<hbm>> -> memref<8x2048xf32, #tpu.memory_space<hbm>>
    %dma_start3A_150 = tpu.memref_slice %arg2[%multiple_of3A, %multiple_of3A_148] : memref<1024x100000xf32, #tpu.memory_space<hbm>> -> memref<8x2048xf32, #tpu.memory_space<hbm>>
    tpu.enqueue_dma source(%dma_start3A_150 : memref<8x2048xf32, #tpu.memory_space<hbm>>) target(%arg5 : memref<8x2048xf32, #tpu.memory_space<vmem>>) target_semaphore(%arg8 : memref<!tpu.dma_semaphore, #tpu.memory_space<semaphore_mem>>)
    %dma_wait3A_151 = arith.constant 0 : i32
    %dma_wait3A_152 = arith.constant 0 : i32
    %dma_wait3A_153 = tpu.memref_slice %arg2[%dma_wait3A_151, %dma_wait3A_152] : memref<1024x100000xf32, #tpu.memory_space<hbm>> -> memref<8x2048xf32, #tpu.memory_space<hbm>>
    %dma_wait3A_154 = arith.constant 0 : i32
    %dma_wait3A_155 = arith.constant 0 : i32
    %dma_wait3A_156 = tpu.memref_slice %arg2[%dma_wait3A_154, %dma_wait3A_155] : memref<1024x100000xf32, #tpu.memory_space<hbm>> -> memref<8x2048xf32, #tpu.memory_space<hbm>>
    tpu.wait_dma2 semaphore(%arg7 : memref<!tpu.dma_semaphore, #tpu.memory_space<semaphore_mem>>) src(%dma_wait3A_156 : memref<8x2048xf32, #tpu.memory_space<hbm>>) dst(%arg4 : memref<8x2048xf32, #tpu.memory_space<vmem>>)
    %multiple_of3A_157 = arith.constant 32768 : i32
    %multiple_of3A_158 = tpu.assume_multiple %multiple_of3A_157, 128 : i32
    %dma_start3A_159 = tpu.memref_slice %arg2[%multiple_of3A, %multiple_of3A_158] : memref<1024x100000xf32, #tpu.memory_space<hbm>> -> memref<8x2048xf32, #tpu.memory_space<hbm>>
    %dma_start3A_160 = tpu.memref_slice %arg2[%multiple_of3A, %multiple_of3A_158] : memref<1024x100000xf32, #tpu.memory_space<hbm>> -> memref<8x2048xf32, #tpu.memory_space<hbm>>
    tpu.enqueue_dma source(%dma_start3A_160 : memref<8x2048xf32, #tpu.memory_space<hbm>>) target(%arg4 : memref<8x2048xf32, #tpu.memory_space<vmem>>) target_semaphore(%arg7 : memref<!tpu.dma_semaphore, #tpu.memory_space<semaphore_mem>>)
    %dma_wait3A_161 = arith.constant 0 : i32
    %dma_wait3A_162 = arith.constant 0 : i32
    %dma_wait3A_163 = tpu.memref_slice %arg2[%dma_wait3A_161, %dma_wait3A_162] : memref<1024x100000xf32, #tpu.memory_space<hbm>> -> memref<8x2048xf32, #tpu.memory_space<hbm>>
    %dma_wait3A_164 = arith.constant 0 : i32
    %dma_wait3A_165 = arith.constant 0 : i32
    %dma_wait3A_166 = tpu.memref_slice %arg2[%dma_wait3A_164, %dma_wait3A_165] : memref<1024x100000xf32, #tpu.memory_space<hbm>> -> memref<8x2048xf32, #tpu.memory_space<hbm>>
    tpu.wait_dma2 semaphore(%arg8 : memref<!tpu.dma_semaphore, #tpu.memory_space<semaphore_mem>>) src(%dma_wait3A_166 : memref<8x2048xf32, #tpu.memory_space<hbm>>) dst(%arg5 : memref<8x2048xf32, #tpu.memory_space<vmem>>)
    %multiple_of3A_167 = arith.constant 34816 : i32
    %multiple_of3A_168 = tpu.assume_multiple %multiple_of3A_167, 128 : i32
    %dma_start3A_169 = tpu.memref_slice %arg2[%multiple_of3A, %multiple_of3A_168] : memref<1024x100000xf32, #tpu.memory_space<hbm>> -> memref<8x2048xf32, #tpu.memory_space<hbm>>
    %dma_start3A_170 = tpu.memref_slice %arg2[%multiple_of3A, %multiple_of3A_168] : memref<1024x100000xf32, #tpu.memory_space<hbm>> -> memref<8x2048xf32, #tpu.memory_space<hbm>>
    tpu.enqueue_dma source(%dma_start3A_170 : memref<8x2048xf32, #tpu.memory_space<hbm>>) target(%arg5 : memref<8x2048xf32, #tpu.memory_space<vmem>>) target_semaphore(%arg8 : memref<!tpu.dma_semaphore, #tpu.memory_space<semaphore_mem>>)
    %dma_wait3A_171 = arith.constant 0 : i32
    %dma_wait3A_172 = arith.constant 0 : i32
    %dma_wait3A_173 = tpu.memref_slice %arg2[%dma_wait3A_171, %dma_wait3A_172] : memref<1024x100000xf32, #tpu.memory_space<hbm>> -> memref<8x2048xf32, #tpu.memory_space<hbm>>
    %dma_wait3A_174 = arith.constant 0 : i32
    %dma_wait3A_175 = arith.constant 0 : i32
    %dma_wait3A_176 = tpu.memref_slice %arg2[%dma_wait3A_174, %dma_wait3A_175] : memref<1024x100000xf32, #tpu.memory_space<hbm>> -> memref<8x2048xf32, #tpu.memory_space<hbm>>
    tpu.wait_dma2 semaphore(%arg7 : memref<!tpu.dma_semaphore, #tpu.memory_space<semaphore_mem>>) src(%dma_wait3A_176 : memref<8x2048xf32, #tpu.memory_space<hbm>>) dst(%arg4 : memref<8x2048xf32, #tpu.memory_space<vmem>>)
    %multiple_of3A_177 = arith.constant 36864 : i32
    %multiple_of3A_178 = tpu.assume_multiple %multiple_of3A_177, 128 : i32
    %dma_start3A_179 = tpu.memref_slice %arg2[%multiple_of3A, %multiple_of3A_178] : memref<1024x100000xf32, #tpu.memory_space<hbm>> -> memref<8x2048xf32, #tpu.memory_space<hbm>>
    %dma_start3A_180 = tpu.memref_slice %arg2[%multiple_of3A, %multiple_of3A_178] : memref<1024x100000xf32, #tpu.memory_space<hbm>> -> memref<8x2048xf32, #tpu.memory_space<hbm>>
    tpu.enqueue_dma source(%dma_start3A_180 : memref<8x2048xf32, #tpu.memory_space<hbm>>) target(%arg4 : memref<8x2048xf32, #tpu.memory_space<vmem>>) target_semaphore(%arg7 : memref<!tpu.dma_semaphore, #tpu.memory_space<semaphore_mem>>)
    %dma_wait3A_181 = arith.constant 0 : i32
    %dma_wait3A_182 = arith.constant 0 : i32
    %dma_wait3A_183 = tpu.memref_slice %arg2[%dma_wait3A_181, %dma_wait3A_182] : memref<1024x100000xf32, #tpu.memory_space<hbm>> -> memref<8x2048xf32, #tpu.memory_space<hbm>>
    %dma_wait3A_184 = arith.constant 0 : i32
    %dma_wait3A_185 = arith.constant 0 : i32
    %dma_wait3A_186 = tpu.memref_slice %arg2[%dma_wait3A_184, %dma_wait3A_185] : memref<1024x100000xf32, #tpu.memory_space<hbm>> -> memref<8x2048xf32, #tpu.memory_space<hbm>>
    tpu.wait_dma2 semaphore(%arg8 : memref<!tpu.dma_semaphore, #tpu.memory_space<semaphore_mem>>) src(%dma_wait3A_186 : memref<8x2048xf32, #tpu.memory_space<hbm>>) dst(%arg5 : memref<8x2048xf32, #tpu.memory_space<vmem>>)
    %multiple_of3A_187 = arith.constant 38912 : i32
    %multiple_of3A_188 = tpu.assume_multiple %multiple_of3A_187, 128 : i32
    %dma_start3A_189 = tpu.memref_slice %arg2[%multiple_of3A, %multiple_of3A_188] : memref<1024x100000xf32, #tpu.memory_space<hbm>> -> memref<8x2048xf32, #tpu.memory_space<hbm>>
    %dma_start3A_190 = tpu.memref_slice %arg2[%multiple_of3A, %multiple_of3A_188] : memref<1024x100000xf32, #tpu.memory_space<hbm>> -> memref<8x2048xf32, #tpu.memory_space<hbm>>
    tpu.enqueue_dma source(%dma_start3A_190 : memref<8x2048xf32, #tpu.memory_space<hbm>>) target(%arg5 : memref<8x2048xf32, #tpu.memory_space<vmem>>) target_semaphore(%arg8 : memref<!tpu.dma_semaphore, #tpu.memory_space<semaphore_mem>>)
    %dma_wait3A_191 = arith.constant 0 : i32
    %dma_wait3A_192 = arith.constant 0 : i32
    %dma_wait3A_193 = tpu.memref_slice %arg2[%dma_wait3A_191, %dma_wait3A_192] : memref<1024x100000xf32, #tpu.memory_space<hbm>> -> memref<8x2048xf32, #tpu.memory_space<hbm>>
    %dma_wait3A_194 = arith.constant 0 : i32
    %dma_wait3A_195 = arith.constant 0 : i32
    %dma_wait3A_196 = tpu.memref_slice %arg2[%dma_wait3A_194, %dma_wait3A_195] : memref<1024x100000xf32, #tpu.memory_space<hbm>> -> memref<8x2048xf32, #tpu.memory_space<hbm>>
    tpu.wait_dma2 semaphore(%arg7 : memref<!tpu.dma_semaphore, #tpu.memory_space<semaphore_mem>>) src(%dma_wait3A_196 : memref<8x2048xf32, #tpu.memory_space<hbm>>) dst(%arg4 : memref<8x2048xf32, #tpu.memory_space<vmem>>)
    %multiple_of3A_197 = arith.constant 40960 : i32
    %multiple_of3A_198 = tpu.assume_multiple %multiple_of3A_197, 128 : i32
    %dma_start3A_199 = tpu.memref_slice %arg2[%multiple_of3A, %multiple_of3A_198] : memref<1024x100000xf32, #tpu.memory_space<hbm>> -> memref<8x2048xf32, #tpu.memory_space<hbm>>
    %dma_start3A_200 = tpu.memref_slice %arg2[%multiple_of3A, %multiple_of3A_198] : memref<1024x100000xf32, #tpu.memory_space<hbm>> -> memref<8x2048xf32, #tpu.memory_space<hbm>>
    tpu.enqueue_dma source(%dma_start3A_200 : memref<8x2048xf32, #tpu.memory_space<hbm>>) target(%arg4 : memref<8x2048xf32, #tpu.memory_space<vmem>>) target_semaphore(%arg7 : memref<!tpu.dma_semaphore, #tpu.memory_space<semaphore_mem>>)
    %dma_wait3A_201 = arith.constant 0 : i32
    %dma_wait3A_202 = arith.constant 0 : i32
    %dma_wait3A_203 = tpu.memref_slice %arg2[%dma_wait3A_201, %dma_wait3A_202] : memref<1024x100000xf32, #tpu.memory_space<hbm>> -> memref<8x2048xf32, #tpu.memory_space<hbm>>
    %dma_wait3A_204 = arith.constant 0 : i32
    %dma_wait3A_205 = arith.constant 0 : i32
    %dma_wait3A_206 = tpu.memref_slice %arg2[%dma_wait3A_204, %dma_wait3A_205] : memref<1024x100000xf32, #tpu.memory_space<hbm>> -> memref<8x2048xf32, #tpu.memory_space<hbm>>
    tpu.wait_dma2 semaphore(%arg8 : memref<!tpu.dma_semaphore, #tpu.memory_space<semaphore_mem>>) src(%dma_wait3A_206 : memref<8x2048xf32, #tpu.memory_space<hbm>>) dst(%arg5 : memref<8x2048xf32, #tpu.memory_space<vmem>>)
    %multiple_of3A_207 = arith.constant 43008 : i32
    %multiple_of3A_208 = tpu.assume_multiple %multiple_of3A_207, 128 : i32
    %dma_start3A_209 = tpu.memref_slice %arg2[%multiple_of3A, %multiple_of3A_208] : memref<1024x100000xf32, #tpu.memory_space<hbm>> -> memref<8x2048xf32, #tpu.memory_space<hbm>>
    %dma_start3A_210 = tpu.memref_slice %arg2[%multiple_of3A, %multiple_of3A_208] : memref<1024x100000xf32, #tpu.memory_space<hbm>> -> memref<8x2048xf32, #tpu.memory_space<hbm>>
    tpu.enqueue_dma source(%dma_start3A_210 : memref<8x2048xf32, #tpu.memory_space<hbm>>) target(%arg5 : memref<8x2048xf32, #tpu.memory_space<vmem>>) target_semaphore(%arg8 : memref<!tpu.dma_semaphore, #tpu.memory_space<semaphore_mem>>)
    %dma_wait3A_211 = arith.constant 0 : i32
    %dma_wait3A_212 = arith.constant 0 : i32
    %dma_wait3A_213 = tpu.memref_slice %arg2[%dma_wait3A_211, %dma_wait3A_212] : memref<1024x100000xf32, #tpu.memory_space<hbm>> -> memref<8x2048xf32, #tpu.memory_space<hbm>>
    %dma_wait3A_214 = arith.constant 0 : i32
    %dma_wait3A_215 = arith.constant 0 : i32
    %dma_wait3A_216 = tpu.memref_slice %arg2[%dma_wait3A_214, %dma_wait3A_215] : memref<1024x100000xf32, #tpu.memory_space<hbm>> -> memref<8x2048xf32, #tpu.memory_space<hbm>>
    tpu.wait_dma2 semaphore(%arg7 : memref<!tpu.dma_semaphore, #tpu.memory_space<semaphore_mem>>) src(%dma_wait3A_216 : memref<8x2048xf32, #tpu.memory_space<hbm>>) dst(%arg4 : memref<8x2048xf32, #tpu.memory_space<vmem>>)
    %multiple_of3A_217 = arith.constant 45056 : i32
    %multiple_of3A_218 = tpu.assume_multiple %multiple_of3A_217, 128 : i32
    %dma_start3A_219 = tpu.memref_slice %arg2[%multiple_of3A, %multiple_of3A_218] : memref<1024x100000xf32, #tpu.memory_space<hbm>> -> memref<8x2048xf32, #tpu.memory_space<hbm>>
    %dma_start3A_220 = tpu.memref_slice %arg2[%multiple_of3A, %multiple_of3A_218] : memref<1024x100000xf32, #tpu.memory_space<hbm>> -> memref<8x2048xf32, #tpu.memory_space<hbm>>
    tpu.enqueue_dma source(%dma_start3A_220 : memref<8x2048xf32, #tpu.memory_space<hbm>>) target(%arg4 : memref<8x2048xf32, #tpu.memory_space<vmem>>) target_semaphore(%arg7 : memref<!tpu.dma_semaphore, #tpu.memory_space<semaphore_mem>>)
    %dma_wait3A_221 = arith.constant 0 : i32
    %dma_wait3A_222 = arith.constant 0 : i32
    %dma_wait3A_223 = tpu.memref_slice %arg2[%dma_wait3A_221, %dma_wait3A_222] : memref<1024x100000xf32, #tpu.memory_space<hbm>> -> memref<8x2048xf32, #tpu.memory_space<hbm>>
    %dma_wait3A_224 = arith.constant 0 : i32
    %dma_wait3A_225 = arith.constant 0 : i32
    %dma_wait3A_226 = tpu.memref_slice %arg2[%dma_wait3A_224, %dma_wait3A_225] : memref<1024x100000xf32, #tpu.memory_space<hbm>> -> memref<8x2048xf32, #tpu.memory_space<hbm>>
    tpu.wait_dma2 semaphore(%arg8 : memref<!tpu.dma_semaphore, #tpu.memory_space<semaphore_mem>>) src(%dma_wait3A_226 : memref<8x2048xf32, #tpu.memory_space<hbm>>) dst(%arg5 : memref<8x2048xf32, #tpu.memory_space<vmem>>)
    %multiple_of3A_227 = arith.constant 47104 : i32
    %multiple_of3A_228 = tpu.assume_multiple %multiple_of3A_227, 128 : i32
    %dma_start3A_229 = tpu.memref_slice %arg2[%multiple_of3A, %multiple_of3A_228] : memref<1024x100000xf32, #tpu.memory_space<hbm>> -> memref<8x2048xf32, #tpu.memory_space<hbm>>
    %dma_start3A_230 = tpu.memref_slice %arg2[%multiple_of3A, %multiple_of3A_228] : memref<1024x100000xf32, #tpu.memory_space<hbm>> -> memref<8x2048xf32, #tpu.memory_space<hbm>>
    tpu.enqueue_dma source(%dma_start3A_230 : memref<8x2048xf32, #tpu.memory_space<hbm>>) target(%arg5 : memref<8x2048xf32, #tpu.memory_space<vmem>>) target_semaphore(%arg8 : memref<!tpu.dma_semaphore, #tpu.memory_space<semaphore_mem>>)
    %dma_wait3A_231 = arith.constant 0 : i32
    %dma_wait3A_232 = arith.constant 0 : i32
    %dma_wait3A_233 = tpu.memref_slice %arg2[%dma_wait3A_231, %dma_wait3A_232] : memref<1024x100000xf32, #tpu.memory_space<hbm>> -> memref<8x2048xf32, #tpu.memory_space<hbm>>
    %dma_wait3A_234 = arith.constant 0 : i32
    %dma_wait3A_235 = arith.constant 0 : i32
    %dma_wait3A_236 = tpu.memref_slice %arg2[%dma_wait3A_234, %dma_wait3A_235] : memref<1024x100000xf32, #tpu.memory_space<hbm>> -> memref<8x2048xf32, #tpu.memory_space<hbm>>
    tpu.wait_dma2 semaphore(%arg7 : memref<!tpu.dma_semaphore, #tpu.memory_space<semaphore_mem>>) src(%dma_wait3A_236 : memref<8x2048xf32, #tpu.memory_space<hbm>>) dst(%arg4 : memref<8x2048xf32, #tpu.memory_space<vmem>>)
    %multiple_of3A_237 = arith.constant 49152 : i32
    %multiple_of3A_238 = tpu.assume_multiple %multiple_of3A_237, 128 : i32
    %dma_start3A_239 = tpu.memref_slice %arg2[%multiple_of3A, %multiple_of3A_238] : memref<1024x100000xf32, #tpu.memory_space<hbm>> -> memref<8x2048xf32, #tpu.memory_space<hbm>>
    %dma_start3A_240 = tpu.memref_slice %arg2[%multiple_of3A, %multiple_of3A_238] : memref<1024x100000xf32, #tpu.memory_space<hbm>> -> memref<8x2048xf32, #tpu.memory_space<hbm>>
    tpu.enqueue_dma source(%dma_start3A_240 : memref<8x2048xf32, #tpu.memory_space<hbm>>) target(%arg4 : memref<8x2048xf32, #tpu.memory_space<vmem>>) target_semaphore(%arg7 : memref<!tpu.dma_semaphore, #tpu.memory_space<semaphore_mem>>)
    %dma_wait3A_241 = arith.constant 0 : i32
    %dma_wait3A_242 = arith.constant 0 : i32
    %dma_wait3A_243 = tpu.memref_slice %arg2[%dma_wait3A_241, %dma_wait3A_242] : memref<1024x100000xf32, #tpu.memory_space<hbm>> -> memref<8x2048xf32, #tpu.memory_space<hbm>>
    %dma_wait3A_244 = arith.constant 0 : i32
    %dma_wait3A_245 = arith.constant 0 : i32
    %dma_wait3A_246 = tpu.memref_slice %arg2[%dma_wait3A_244, %dma_wait3A_245] : memref<1024x100000xf32, #tpu.memory_space<hbm>> -> memref<8x2048xf32, #tpu.memory_space<hbm>>
    tpu.wait_dma2 semaphore(%arg8 : memref<!tpu.dma_semaphore, #tpu.memory_space<semaphore_mem>>) src(%dma_wait3A_246 : memref<8x2048xf32, #tpu.memory_space<hbm>>) dst(%arg5 : memref<8x2048xf32, #tpu.memory_space<vmem>>)
    %multiple_of3A_247 = arith.constant 51200 : i32
    %multiple_of3A_248 = tpu.assume_multiple %multiple_of3A_247, 128 : i32
    %dma_start3A_249 = tpu.memref_slice %arg2[%multiple_of3A, %multiple_of3A_248] : memref<1024x100000xf32, #tpu.memory_space<hbm>> -> memref<8x2048xf32, #tpu.memory_space<hbm>>
    %dma_start3A_250 = tpu.memref_slice %arg2[%multiple_of3A, %multiple_of3A_248] : memref<1024x100000xf32, #tpu.memory_space<hbm>> -> memref<8x2048xf32, #tpu.memory_space<hbm>>
    tpu.enqueue_dma source(%dma_start3A_250 : memref<8x2048xf32, #tpu.memory_space<hbm>>) target(%arg5 : memref<8x2048xf32, #tpu.memory_space<vmem>>) target_semaphore(%arg8 : memref<!tpu.dma_semaphore, #tpu.memory_space<semaphore_mem>>)
    %dma_wait3A_251 = arith.constant 0 : i32
    %dma_wait3A_252 = arith.constant 0 : i32
    %dma_wait3A_253 = tpu.memref_slice %arg2[%dma_wait3A_251, %dma_wait3A_252] : memref<1024x100000xf32, #tpu.memory_space<hbm>> -> memref<8x2048xf32, #tpu.memory_space<hbm>>
    %dma_wait3A_254 = arith.constant 0 : i32
    %dma_wait3A_255 = arith.constant 0 : i32
    %dma_wait3A_256 = tpu.memref_slice %arg2[%dma_wait3A_254, %dma_wait3A_255] : memref<1024x100000xf32, #tpu.memory_space<hbm>> -> memref<8x2048xf32, #tpu.memory_space<hbm>>
    tpu.wait_dma2 semaphore(%arg7 : memref<!tpu.dma_semaphore, #tpu.memory_space<semaphore_mem>>) src(%dma_wait3A_256 : memref<8x2048xf32, #tpu.memory_space<hbm>>) dst(%arg4 : memref<8x2048xf32, #tpu.memory_space<vmem>>)
    %multiple_of3A_257 = arith.constant 53248 : i32
    %multiple_of3A_258 = tpu.assume_multiple %multiple_of3A_257, 128 : i32
    %dma_start3A_259 = tpu.memref_slice %arg2[%multiple_of3A, %multiple_of3A_258] : memref<1024x100000xf32, #tpu.memory_space<hbm>> -> memref<8x2048xf32, #tpu.memory_space<hbm>>
    %dma_start3A_260 = tpu.memref_slice %arg2[%multiple_of3A, %multiple_of3A_258] : memref<1024x100000xf32, #tpu.memory_space<hbm>> -> memref<8x2048xf32, #tpu.memory_space<hbm>>
    tpu.enqueue_dma source(%dma_start3A_260 : memref<8x2048xf32, #tpu.memory_space<hbm>>) target(%arg4 : memref<8x2048xf32, #tpu.memory_space<vmem>>) target_semaphore(%arg7 : memref<!tpu.dma_semaphore, #tpu.memory_space<semaphore_mem>>)
    %dma_wait3A_261 = arith.constant 0 : i32
    %dma_wait3A_262 = arith.constant 0 : i32
    %dma_wait3A_263 = tpu.memref_slice %arg2[%dma_wait3A_261, %dma_wait3A_262] : memref<1024x100000xf32, #tpu.memory_space<hbm>> -> memref<8x2048xf32, #tpu.memory_space<hbm>>
    %dma_wait3A_264 = arith.constant 0 : i32
    %dma_wait3A_265 = arith.constant 0 : i32
    %dma_wait3A_266 = tpu.memref_slice %arg2[%dma_wait3A_264, %dma_wait3A_265] : memref<1024x100000xf32, #tpu.memory_space<hbm>> -> memref<8x2048xf32, #tpu.memory_space<hbm>>
    tpu.wait_dma2 semaphore(%arg8 : memref<!tpu.dma_semaphore, #tpu.memory_space<semaphore_mem>>) src(%dma_wait3A_266 : memref<8x2048xf32, #tpu.memory_space<hbm>>) dst(%arg5 : memref<8x2048xf32, #tpu.memory_space<vmem>>)
    %multiple_of3A_267 = arith.constant 55296 : i32
    %multiple_of3A_268 = tpu.assume_multiple %multiple_of3A_267, 128 : i32
    %dma_start3A_269 = tpu.memref_slice %arg2[%multiple_of3A, %multiple_of3A_268] : memref<1024x100000xf32, #tpu.memory_space<hbm>> -> memref<8x2048xf32, #tpu.memory_space<hbm>>
    %dma_start3A_270 = tpu.memref_slice %arg2[%multiple_of3A, %multiple_of3A_268] : memref<1024x100000xf32, #tpu.memory_space<hbm>> -> memref<8x2048xf32, #tpu.memory_space<hbm>>
    tpu.enqueue_dma source(%dma_start3A_270 : memref<8x2048xf32, #tpu.memory_space<hbm>>) target(%arg5 : memref<8x2048xf32, #tpu.memory_space<vmem>>) target_semaphore(%arg8 : memref<!tpu.dma_semaphore, #tpu.memory_space<semaphore_mem>>)
    %dma_wait3A_271 = arith.constant 0 : i32
    %dma_wait3A_272 = arith.constant 0 : i32
    %dma_wait3A_273 = tpu.memref_slice %arg2[%dma_wait3A_271, %dma_wait3A_272] : memref<1024x100000xf32, #tpu.memory_space<hbm>> -> memref<8x2048xf32, #tpu.memory_space<hbm>>
    %dma_wait3A_274 = arith.constant 0 : i32
    %dma_wait3A_275 = arith.constant 0 : i32
    %dma_wait3A_276 = tpu.memref_slice %arg2[%dma_wait3A_274, %dma_wait3A_275] : memref<1024x100000xf32, #tpu.memory_space<hbm>> -> memref<8x2048xf32, #tpu.memory_space<hbm>>
    tpu.wait_dma2 semaphore(%arg7 : memref<!tpu.dma_semaphore, #tpu.memory_space<semaphore_mem>>) src(%dma_wait3A_276 : memref<8x2048xf32, #tpu.memory_space<hbm>>) dst(%arg4 : memref<8x2048xf32, #tpu.memory_space<vmem>>)
    %multiple_of3A_277 = arith.constant 57344 : i32
    %multiple_of3A_278 = tpu.assume_multiple %multiple_of3A_277, 128 : i32
    %dma_start3A_279 = tpu.memref_slice %arg2[%multiple_of3A, %multiple_of3A_278] : memref<1024x100000xf32, #tpu.memory_space<hbm>> -> memref<8x2048xf32, #tpu.memory_space<hbm>>
    %dma_start3A_280 = tpu.memref_slice %arg2[%multiple_of3A, %multiple_of3A_278] : memref<1024x100000xf32, #tpu.memory_space<hbm>> -> memref<8x2048xf32, #tpu.memory_space<hbm>>
    tpu.enqueue_dma source(%dma_start3A_280 : memref<8x2048xf32, #tpu.memory_space<hbm>>) target(%arg4 : memref<8x2048xf32, #tpu.memory_space<vmem>>) target_semaphore(%arg7 : memref<!tpu.dma_semaphore, #tpu.memory_space<semaphore_mem>>)
    %dma_wait3A_281 = arith.constant 0 : i32
    %dma_wait3A_282 = arith.constant 0 : i32
    %dma_wait3A_283 = tpu.memref_slice %arg2[%dma_wait3A_281, %dma_wait3A_282] : memref<1024x100000xf32, #tpu.memory_space<hbm>> -> memref<8x2048xf32, #tpu.memory_space<hbm>>
    %dma_wait3A_284 = arith.constant 0 : i32
    %dma_wait3A_285 = arith.constant 0 : i32
    %dma_wait3A_286 = tpu.memref_slice %arg2[%dma_wait3A_284, %dma_wait3A_285] : memref<1024x100000xf32, #tpu.memory_space<hbm>> -> memref<8x2048xf32, #tpu.memory_space<hbm>>
    tpu.wait_dma2 semaphore(%arg8 : memref<!tpu.dma_semaphore, #tpu.memory_space<semaphore_mem>>) src(%dma_wait3A_286 : memref<8x2048xf32, #tpu.memory_space<hbm>>) dst(%arg5 : memref<8x2048xf32, #tpu.memory_space<vmem>>)
    %multiple_of3A_287 = arith.constant 59392 : i32
    %multiple_of3A_288 = tpu.assume_multiple %multiple_of3A_287, 128 : i32
    %dma_start3A_289 = tpu.memref_slice %arg2[%multiple_of3A, %multiple_of3A_288] : memref<1024x100000xf32, #tpu.memory_space<hbm>> -> memref<8x2048xf32, #tpu.memory_space<hbm>>
    %dma_start3A_290 = tpu.memref_slice %arg2[%multiple_of3A, %multiple_of3A_288] : memref<1024x100000xf32, #tpu.memory_space<hbm>> -> memref<8x2048xf32, #tpu.memory_space<hbm>>
    tpu.enqueue_dma source(%dma_start3A_290 : memref<8x2048xf32, #tpu.memory_space<hbm>>) target(%arg5 : memref<8x2048xf32, #tpu.memory_space<vmem>>) target_semaphore(%arg8 : memref<!tpu.dma_semaphore, #tpu.memory_space<semaphore_mem>>)
    %dma_wait3A_291 = arith.constant 0 : i32
    %dma_wait3A_292 = arith.constant 0 : i32
    %dma_wait3A_293 = tpu.memref_slice %arg2[%dma_wait3A_291, %dma_wait3A_292] : memref<1024x100000xf32, #tpu.memory_space<hbm>> -> memref<8x2048xf32, #tpu.memory_space<hbm>>
    %dma_wait3A_294 = arith.constant 0 : i32
    %dma_wait3A_295 = arith.constant 0 : i32
    %dma_wait3A_296 = tpu.memref_slice %arg2[%dma_wait3A_294, %dma_wait3A_295] : memref<1024x100000xf32, #tpu.memory_space<hbm>> -> memref<8x2048xf32, #tpu.memory_space<hbm>>
    tpu.wait_dma2 semaphore(%arg7 : memref<!tpu.dma_semaphore, #tpu.memory_space<semaphore_mem>>) src(%dma_wait3A_296 : memref<8x2048xf32, #tpu.memory_space<hbm>>) dst(%arg4 : memref<8x2048xf32, #tpu.memory_space<vmem>>)
    %multiple_of3A_297 = arith.constant 61440 : i32
    %multiple_of3A_298 = tpu.assume_multiple %multiple_of3A_297, 128 : i32
    %dma_start3A_299 = tpu.memref_slice %arg2[%multiple_of3A, %multiple_of3A_298] : memref<1024x100000xf32, #tpu.memory_space<hbm>> -> memref<8x2048xf32, #tpu.memory_space<hbm>>
    %dma_start3A_300 = tpu.memref_slice %arg2[%multiple_of3A, %multiple_of3A_298] : memref<1024x100000xf32, #tpu.memory_space<hbm>> -> memref<8x2048xf32, #tpu.memory_space<hbm>>
    tpu.enqueue_dma source(%dma_start3A_300 : memref<8x2048xf32, #tpu.memory_space<hbm>>) target(%arg4 : memref<8x2048xf32, #tpu.memory_space<vmem>>) target_semaphore(%arg7 : memref<!tpu.dma_semaphore, #tpu.memory_space<semaphore_mem>>)
    %dma_wait3A_301 = arith.constant 0 : i32
    %dma_wait3A_302 = arith.constant 0 : i32
    %dma_wait3A_303 = tpu.memref_slice %arg2[%dma_wait3A_301, %dma_wait3A_302] : memref<1024x100000xf32, #tpu.memory_space<hbm>> -> memref<8x2048xf32, #tpu.memory_space<hbm>>
    %dma_wait3A_304 = arith.constant 0 : i32
    %dma_wait3A_305 = arith.constant 0 : i32
    %dma_wait3A_306 = tpu.memref_slice %arg2[%dma_wait3A_304, %dma_wait3A_305] : memref<1024x100000xf32, #tpu.memory_space<hbm>> -> memref<8x2048xf32, #tpu.memory_space<hbm>>
    tpu.wait_dma2 semaphore(%arg8 : memref<!tpu.dma_semaphore, #tpu.memory_space<semaphore_mem>>) src(%dma_wait3A_306 : memref<8x2048xf32, #tpu.memory_space<hbm>>) dst(%arg5 : memref<8x2048xf32, #tpu.memory_space<vmem>>)
    %multiple_of3A_307 = arith.constant 63488 : i32
    %multiple_of3A_308 = tpu.assume_multiple %multiple_of3A_307, 128 : i32
    %dma_start3A_309 = tpu.memref_slice %arg2[%multiple_of3A, %multiple_of3A_308] : memref<1024x100000xf32, #tpu.memory_space<hbm>> -> memref<8x2048xf32, #tpu.memory_space<hbm>>
    %dma_start3A_310 = tpu.memref_slice %arg2[%multiple_of3A, %multiple_of3A_308] : memref<1024x100000xf32, #tpu.memory_space<hbm>> -> memref<8x2048xf32, #tpu.memory_space<hbm>>
    tpu.enqueue_dma source(%dma_start3A_310 : memref<8x2048xf32, #tpu.memory_space<hbm>>) target(%arg5 : memref<8x2048xf32, #tpu.memory_space<vmem>>) target_semaphore(%arg8 : memref<!tpu.dma_semaphore, #tpu.memory_space<semaphore_mem>>)
    %dma_wait3A_311 = arith.constant 0 : i32
    %dma_wait3A_312 = arith.constant 0 : i32
    %dma_wait3A_313 = tpu.memref_slice %arg2[%dma_wait3A_311, %dma_wait3A_312] : memref<1024x100000xf32, #tpu.memory_space<hbm>> -> memref<8x2048xf32, #tpu.memory_space<hbm>>
    %dma_wait3A_314 = arith.constant 0 : i32
    %dma_wait3A_315 = arith.constant 0 : i32
    %dma_wait3A_316 = tpu.memref_slice %arg2[%dma_wait3A_314, %dma_wait3A_315] : memref<1024x100000xf32, #tpu.memory_space<hbm>> -> memref<8x2048xf32, #tpu.memory_space<hbm>>
    tpu.wait_dma2 semaphore(%arg7 : memref<!tpu.dma_semaphore, #tpu.memory_space<semaphore_mem>>) src(%dma_wait3A_316 : memref<8x2048xf32, #tpu.memory_space<hbm>>) dst(%arg4 : memref<8x2048xf32, #tpu.memory_space<vmem>>)
    %multiple_of3A_317 = arith.constant 65536 : i32
    %multiple_of3A_318 = tpu.assume_multiple %multiple_of3A_317, 128 : i32
    %dma_start3A_319 = tpu.memref_slice %arg2[%multiple_of3A, %multiple_of3A_318] : memref<1024x100000xf32, #tpu.memory_space<hbm>> -> memref<8x2048xf32, #tpu.memory_space<hbm>>
    %dma_start3A_320 = tpu.memref_slice %arg2[%multiple_of3A, %multiple_of3A_318] : memref<1024x100000xf32, #tpu.memory_space<hbm>> -> memref<8x2048xf32, #tpu.memory_space<hbm>>
    tpu.enqueue_dma source(%dma_start3A_320 : memref<8x2048xf32, #tpu.memory_space<hbm>>) target(%arg4 : memref<8x2048xf32, #tpu.memory_space<vmem>>) target_semaphore(%arg7 : memref<!tpu.dma_semaphore, #tpu.memory_space<semaphore_mem>>)
    %dma_wait3A_321 = arith.constant 0 : i32
    %dma_wait3A_322 = arith.constant 0 : i32
    %dma_wait3A_323 = tpu.memref_slice %arg2[%dma_wait3A_321, %dma_wait3A_322] : memref<1024x100000xf32, #tpu.memory_space<hbm>> -> memref<8x2048xf32, #tpu.memory_space<hbm>>
    %dma_wait3A_324 = arith.constant 0 : i32
    %dma_wait3A_325 = arith.constant 0 : i32
    %dma_wait3A_326 = tpu.memref_slice %arg2[%dma_wait3A_324, %dma_wait3A_325] : memref<1024x100000xf32, #tpu.memory_space<hbm>> -> memref<8x2048xf32, #tpu.memory_space<hbm>>
    tpu.wait_dma2 semaphore(%arg8 : memref<!tpu.dma_semaphore, #tpu.memory_space<semaphore_mem>>) src(%dma_wait3A_326 : memref<8x2048xf32, #tpu.memory_space<hbm>>) dst(%arg5 : memref<8x2048xf32, #tpu.memory_space<vmem>>)
    %multiple_of3A_327 = arith.constant 67584 : i32
    %multiple_of3A_328 = tpu.assume_multiple %multiple_of3A_327, 128 : i32
    %dma_start3A_329 = tpu.memref_slice %arg2[%multiple_of3A, %multiple_of3A_328] : memref<1024x100000xf32, #tpu.memory_space<hbm>> -> memref<8x2048xf32, #tpu.memory_space<hbm>>
    %dma_start3A_330 = tpu.memref_slice %arg2[%multiple_of3A, %multiple_of3A_328] : memref<1024x100000xf32, #tpu.memory_space<hbm>> -> memref<8x2048xf32, #tpu.memory_space<hbm>>
    tpu.enqueue_dma source(%dma_start3A_330 : memref<8x2048xf32, #tpu.memory_space<hbm>>) target(%arg5 : memref<8x2048xf32, #tpu.memory_space<vmem>>) target_semaphore(%arg8 : memref<!tpu.dma_semaphore, #tpu.memory_space<semaphore_mem>>)
    %dma_wait3A_331 = arith.constant 0 : i32
    %dma_wait3A_332 = arith.constant 0 : i32
    %dma_wait3A_333 = tpu.memref_slice %arg2[%dma_wait3A_331, %dma_wait3A_332] : memref<1024x100000xf32, #tpu.memory_space<hbm>> -> memref<8x2048xf32, #tpu.memory_space<hbm>>
    %dma_wait3A_334 = arith.constant 0 : i32
    %dma_wait3A_335 = arith.constant 0 : i32
    %dma_wait3A_336 = tpu.memref_slice %arg2[%dma_wait3A_334, %dma_wait3A_335] : memref<1024x100000xf32, #tpu.memory_space<hbm>> -> memref<8x2048xf32, #tpu.memory_space<hbm>>
    tpu.wait_dma2 semaphore(%arg7 : memref<!tpu.dma_semaphore, #tpu.memory_space<semaphore_mem>>) src(%dma_wait3A_336 : memref<8x2048xf32, #tpu.memory_space<hbm>>) dst(%arg4 : memref<8x2048xf32, #tpu.memory_space<vmem>>)
    %multiple_of3A_337 = arith.constant 69632 : i32
    %multiple_of3A_338 = tpu.assume_multiple %multiple_of3A_337, 128 : i32
    %dma_start3A_339 = tpu.memref_slice %arg2[%multiple_of3A, %multiple_of3A_338] : memref<1024x100000xf32, #tpu.memory_space<hbm>> -> memref<8x2048xf32, #tpu.memory_space<hbm>>
    %dma_start3A_340 = tpu.memref_slice %arg2[%multiple_of3A, %multiple_of3A_338] : memref<1024x100000xf32, #tpu.memory_space<hbm>> -> memref<8x2048xf32, #tpu.memory_space<hbm>>
    tpu.enqueue_dma source(%dma_start3A_340 : memref<8x2048xf32, #tpu.memory_space<hbm>>) target(%arg4 : memref<8x2048xf32, #tpu.memory_space<vmem>>) target_semaphore(%arg7 : memref<!tpu.dma_semaphore, #tpu.memory_space<semaphore_mem>>)
    %dma_wait3A_341 = arith.constant 0 : i32
    %dma_wait3A_342 = arith.constant 0 : i32
    %dma_wait3A_343 = tpu.memref_slice %arg2[%dma_wait3A_341, %dma_wait3A_342] : memref<1024x100000xf32, #tpu.memory_space<hbm>> -> memref<8x2048xf32, #tpu.memory_space<hbm>>
    %dma_wait3A_344 = arith.constant 0 : i32
    %dma_wait3A_345 = arith.constant 0 : i32
    %dma_wait3A_346 = tpu.memref_slice %arg2[%dma_wait3A_344, %dma_wait3A_345] : memref<1024x100000xf32, #tpu.memory_space<hbm>> -> memref<8x2048xf32, #tpu.memory_space<hbm>>
    tpu.wait_dma2 semaphore(%arg8 : memref<!tpu.dma_semaphore, #tpu.memory_space<semaphore_mem>>) src(%dma_wait3A_346 : memref<8x2048xf32, #tpu.memory_space<hbm>>) dst(%arg5 : memref<8x2048xf32, #tpu.memory_space<vmem>>)
    %multiple_of3A_347 = arith.constant 71680 : i32
    %multiple_of3A_348 = tpu.assume_multiple %multiple_of3A_347, 128 : i32
    %dma_start3A_349 = tpu.memref_slice %arg2[%multiple_of3A, %multiple_of3A_348] : memref<1024x100000xf32, #tpu.memory_space<hbm>> -> memref<8x2048xf32, #tpu.memory_space<hbm>>
    %dma_start3A_350 = tpu.memref_slice %arg2[%multiple_of3A, %multiple_of3A_348] : memref<1024x100000xf32, #tpu.memory_space<hbm>> -> memref<8x2048xf32, #tpu.memory_space<hbm>>
    tpu.enqueue_dma source(%dma_start3A_350 : memref<8x2048xf32, #tpu.memory_space<hbm>>) target(%arg5 : memref<8x2048xf32, #tpu.memory_space<vmem>>) target_semaphore(%arg8 : memref<!tpu.dma_semaphore, #tpu.memory_space<semaphore_mem>>)
    %dma_wait3A_351 = arith.constant 0 : i32
    %dma_wait3A_352 = arith.constant 0 : i32
    %dma_wait3A_353 = tpu.memref_slice %arg2[%dma_wait3A_351, %dma_wait3A_352] : memref<1024x100000xf32, #tpu.memory_space<hbm>> -> memref<8x2048xf32, #tpu.memory_space<hbm>>
    %dma_wait3A_354 = arith.constant 0 : i32
    %dma_wait3A_355 = arith.constant 0 : i32
    %dma_wait3A_356 = tpu.memref_slice %arg2[%dma_wait3A_354, %dma_wait3A_355] : memref<1024x100000xf32, #tpu.memory_space<hbm>> -> memref<8x2048xf32, #tpu.memory_space<hbm>>
    tpu.wait_dma2 semaphore(%arg7 : memref<!tpu.dma_semaphore, #tpu.memory_space<semaphore_mem>>) src(%dma_wait3A_356 : memref<8x2048xf32, #tpu.memory_space<hbm>>) dst(%arg4 : memref<8x2048xf32, #tpu.memory_space<vmem>>)
    %multiple_of3A_357 = arith.constant 73728 : i32
    %multiple_of3A_358 = tpu.assume_multiple %multiple_of3A_357, 128 : i32
    %dma_start3A_359 = tpu.memref_slice %arg2[%multiple_of3A, %multiple_of3A_358] : memref<1024x100000xf32, #tpu.memory_space<hbm>> -> memref<8x2048xf32, #tpu.memory_space<hbm>>
    %dma_start3A_360 = tpu.memref_slice %arg2[%multiple_of3A, %multiple_of3A_358] : memref<1024x100000xf32, #tpu.memory_space<hbm>> -> memref<8x2048xf32, #tpu.memory_space<hbm>>
    tpu.enqueue_dma source(%dma_start3A_360 : memref<8x2048xf32, #tpu.memory_space<hbm>>) target(%arg4 : memref<8x2048xf32, #tpu.memory_space<vmem>>) target_semaphore(%arg7 : memref<!tpu.dma_semaphore, #tpu.memory_space<semaphore_mem>>)
    %dma_wait3A_361 = arith.constant 0 : i32
    %dma_wait3A_362 = arith.constant 0 : i32
    %dma_wait3A_363 = tpu.memref_slice %arg2[%dma_wait3A_361, %dma_wait3A_362] : memref<1024x100000xf32, #tpu.memory_space<hbm>> -> memref<8x2048xf32, #tpu.memory_space<hbm>>
    %dma_wait3A_364 = arith.constant 0 : i32
    %dma_wait3A_365 = arith.constant 0 : i32
    %dma_wait3A_366 = tpu.memref_slice %arg2[%dma_wait3A_364, %dma_wait3A_365] : memref<1024x100000xf32, #tpu.memory_space<hbm>> -> memref<8x2048xf32, #tpu.memory_space<hbm>>
    tpu.wait_dma2 semaphore(%arg8 : memref<!tpu.dma_semaphore, #tpu.memory_space<semaphore_mem>>) src(%dma_wait3A_366 : memref<8x2048xf32, #tpu.memory_space<hbm>>) dst(%arg5 : memref<8x2048xf32, #tpu.memory_space<vmem>>)
    %multiple_of3A_367 = arith.constant 75776 : i32
    %multiple_of3A_368 = tpu.assume_multiple %multiple_of3A_367, 128 : i32
    %dma_start3A_369 = tpu.memref_slice %arg2[%multiple_of3A, %multiple_of3A_368] : memref<1024x100000xf32, #tpu.memory_space<hbm>> -> memref<8x2048xf32, #tpu.memory_space<hbm>>
    %dma_start3A_370 = tpu.memref_slice %arg2[%multiple_of3A, %multiple_of3A_368] : memref<1024x100000xf32, #tpu.memory_space<hbm>> -> memref<8x2048xf32, #tpu.memory_space<hbm>>
    tpu.enqueue_dma source(%dma_start3A_370 : memref<8x2048xf32, #tpu.memory_space<hbm>>) target(%arg5 : memref<8x2048xf32, #tpu.memory_space<vmem>>) target_semaphore(%arg8 : memref<!tpu.dma_semaphore, #tpu.memory_space<semaphore_mem>>)
    %dma_wait3A_371 = arith.constant 0 : i32
    %dma_wait3A_372 = arith.constant 0 : i32
    %dma_wait3A_373 = tpu.memref_slice %arg2[%dma_wait3A_371, %dma_wait3A_372] : memref<1024x100000xf32, #tpu.memory_space<hbm>> -> memref<8x2048xf32, #tpu.memory_space<hbm>>
    %dma_wait3A_374 = arith.constant 0 : i32
    %dma_wait3A_375 = arith.constant 0 : i32
    %dma_wait3A_376 = tpu.memref_slice %arg2[%dma_wait3A_374, %dma_wait3A_375] : memref<1024x100000xf32, #tpu.memory_space<hbm>> -> memref<8x2048xf32, #tpu.memory_space<hbm>>
    tpu.wait_dma2 semaphore(%arg7 : memref<!tpu.dma_semaphore, #tpu.memory_space<semaphore_mem>>) src(%dma_wait3A_376 : memref<8x2048xf32, #tpu.memory_space<hbm>>) dst(%arg4 : memref<8x2048xf32, #tpu.memory_space<vmem>>)
    %multiple_of3A_377 = arith.constant 77824 : i32
    %multiple_of3A_378 = tpu.assume_multiple %multiple_of3A_377, 128 : i32
    %dma_start3A_379 = tpu.memref_slice %arg2[%multiple_of3A, %multiple_of3A_378] : memref<1024x100000xf32, #tpu.memory_space<hbm>> -> memref<8x2048xf32, #tpu.memory_space<hbm>>
    %dma_start3A_380 = tpu.memref_slice %arg2[%multiple_of3A, %multiple_of3A_378] : memref<1024x100000xf32, #tpu.memory_space<hbm>> -> memref<8x2048xf32, #tpu.memory_space<hbm>>
    tpu.enqueue_dma source(%dma_start3A_380 : memref<8x2048xf32, #tpu.memory_space<hbm>>) target(%arg4 : memref<8x2048xf32, #tpu.memory_space<vmem>>) target_semaphore(%arg7 : memref<!tpu.dma_semaphore, #tpu.memory_space<semaphore_mem>>)
    %dma_wait3A_381 = arith.constant 0 : i32
    %dma_wait3A_382 = arith.constant 0 : i32
    %dma_wait3A_383 = tpu.memref_slice %arg2[%dma_wait3A_381, %dma_wait3A_382] : memref<1024x100000xf32, #tpu.memory_space<hbm>> -> memref<8x2048xf32, #tpu.memory_space<hbm>>
    %dma_wait3A_384 = arith.constant 0 : i32
    %dma_wait3A_385 = arith.constant 0 : i32
    %dma_wait3A_386 = tpu.memref_slice %arg2[%dma_wait3A_384, %dma_wait3A_385] : memref<1024x100000xf32, #tpu.memory_space<hbm>> -> memref<8x2048xf32, #tpu.memory_space<hbm>>
    tpu.wait_dma2 semaphore(%arg8 : memref<!tpu.dma_semaphore, #tpu.memory_space<semaphore_mem>>) src(%dma_wait3A_386 : memref<8x2048xf32, #tpu.memory_space<hbm>>) dst(%arg5 : memref<8x2048xf32, #tpu.memory_space<vmem>>)
    %multiple_of3A_387 = arith.constant 79872 : i32
    %multiple_of3A_388 = tpu.assume_multiple %multiple_of3A_387, 128 : i32
    %dma_start3A_389 = tpu.memref_slice %arg2[%multiple_of3A, %multiple_of3A_388] : memref<1024x100000xf32, #tpu.memory_space<hbm>> -> memref<8x2048xf32, #tpu.memory_space<hbm>>
    %dma_start3A_390 = tpu.memref_slice %arg2[%multiple_of3A, %multiple_of3A_388] : memref<1024x100000xf32, #tpu.memory_space<hbm>> -> memref<8x2048xf32, #tpu.memory_space<hbm>>
    tpu.enqueue_dma source(%dma_start3A_390 : memref<8x2048xf32, #tpu.memory_space<hbm>>) target(%arg5 : memref<8x2048xf32, #tpu.memory_space<vmem>>) target_semaphore(%arg8 : memref<!tpu.dma_semaphore, #tpu.memory_space<semaphore_mem>>)
    %dma_wait3A_391 = arith.constant 0 : i32
    %dma_wait3A_392 = arith.constant 0 : i32
    %dma_wait3A_393 = tpu.memref_slice %arg2[%dma_wait3A_391, %dma_wait3A_392] : memref<1024x100000xf32, #tpu.memory_space<hbm>> -> memref<8x2048xf32, #tpu.memory_space<hbm>>
    %dma_wait3A_394 = arith.constant 0 : i32
    %dma_wait3A_395 = arith.constant 0 : i32
    %dma_wait3A_396 = tpu.memref_slice %arg2[%dma_wait3A_394, %dma_wait3A_395] : memref<1024x100000xf32, #tpu.memory_space<hbm>> -> memref<8x2048xf32, #tpu.memory_space<hbm>>
    tpu.wait_dma2 semaphore(%arg7 : memref<!tpu.dma_semaphore, #tpu.memory_space<semaphore_mem>>) src(%dma_wait3A_396 : memref<8x2048xf32, #tpu.memory_space<hbm>>) dst(%arg4 : memref<8x2048xf32, #tpu.memory_space<vmem>>)
    %multiple_of3A_397 = arith.constant 81920 : i32
    %multiple_of3A_398 = tpu.assume_multiple %multiple_of3A_397, 128 : i32
    %dma_start3A_399 = tpu.memref_slice %arg2[%multiple_of3A, %multiple_of3A_398] : memref<1024x100000xf32, #tpu.memory_space<hbm>> -> memref<8x2048xf32, #tpu.memory_space<hbm>>
    %dma_start3A_400 = tpu.memref_slice %arg2[%multiple_of3A, %multiple_of3A_398] : memref<1024x100000xf32, #tpu.memory_space<hbm>> -> memref<8x2048xf32, #tpu.memory_space<hbm>>
    tpu.enqueue_dma source(%dma_start3A_400 : memref<8x2048xf32, #tpu.memory_space<hbm>>) target(%arg4 : memref<8x2048xf32, #tpu.memory_space<vmem>>) target_semaphore(%arg7 : memref<!tpu.dma_semaphore, #tpu.memory_space<semaphore_mem>>)
    %dma_wait3A_401 = arith.constant 0 : i32
    %dma_wait3A_402 = arith.constant 0 : i32
    %dma_wait3A_403 = tpu.memref_slice %arg2[%dma_wait3A_401, %dma_wait3A_402] : memref<1024x100000xf32, #tpu.memory_space<hbm>> -> memref<8x2048xf32, #tpu.memory_space<hbm>>
    %dma_wait3A_404 = arith.constant 0 : i32
    %dma_wait3A_405 = arith.constant 0 : i32
    %dma_wait3A_406 = tpu.memref_slice %arg2[%dma_wait3A_404, %dma_wait3A_405] : memref<1024x100000xf32, #tpu.memory_space<hbm>> -> memref<8x2048xf32, #tpu.memory_space<hbm>>
    tpu.wait_dma2 semaphore(%arg8 : memref<!tpu.dma_semaphore, #tpu.memory_space<semaphore_mem>>) src(%dma_wait3A_406 : memref<8x2048xf32, #tpu.memory_space<hbm>>) dst(%arg5 : memref<8x2048xf32, #tpu.memory_space<vmem>>)
    %multiple_of3A_407 = arith.constant 83968 : i32
    %multiple_of3A_408 = tpu.assume_multiple %multiple_of3A_407, 128 : i32
    %dma_start3A_409 = tpu.memref_slice %arg2[%multiple_of3A, %multiple_of3A_408] : memref<1024x100000xf32, #tpu.memory_space<hbm>> -> memref<8x2048xf32, #tpu.memory_space<hbm>>
    %dma_start3A_410 = tpu.memref_slice %arg2[%multiple_of3A, %multiple_of3A_408] : memref<1024x100000xf32, #tpu.memory_space<hbm>> -> memref<8x2048xf32, #tpu.memory_space<hbm>>
    tpu.enqueue_dma source(%dma_start3A_410 : memref<8x2048xf32, #tpu.memory_space<hbm>>) target(%arg5 : memref<8x2048xf32, #tpu.memory_space<vmem>>) target_semaphore(%arg8 : memref<!tpu.dma_semaphore, #tpu.memory_space<semaphore_mem>>)
    %dma_wait3A_411 = arith.constant 0 : i32
    %dma_wait3A_412 = arith.constant 0 : i32
    %dma_wait3A_413 = tpu.memref_slice %arg2[%dma_wait3A_411, %dma_wait3A_412] : memref<1024x100000xf32, #tpu.memory_space<hbm>> -> memref<8x2048xf32, #tpu.memory_space<hbm>>
    %dma_wait3A_414 = arith.constant 0 : i32
    %dma_wait3A_415 = arith.constant 0 : i32
    %dma_wait3A_416 = tpu.memref_slice %arg2[%dma_wait3A_414, %dma_wait3A_415] : memref<1024x100000xf32, #tpu.memory_space<hbm>> -> memref<8x2048xf32, #tpu.memory_space<hbm>>
    tpu.wait_dma2 semaphore(%arg7 : memref<!tpu.dma_semaphore, #tpu.memory_space<semaphore_mem>>) src(%dma_wait3A_416 : memref<8x2048xf32, #tpu.memory_space<hbm>>) dst(%arg4 : memref<8x2048xf32, #tpu.memory_space<vmem>>)
    %multiple_of3A_417 = arith.constant 86016 : i32
    %multiple_of3A_418 = tpu.assume_multiple %multiple_of3A_417, 128 : i32
    %dma_start3A_419 = tpu.memref_slice %arg2[%multiple_of3A, %multiple_of3A_418] : memref<1024x100000xf32, #tpu.memory_space<hbm>> -> memref<8x2048xf32, #tpu.memory_space<hbm>>
    %dma_start3A_420 = tpu.memref_slice %arg2[%multiple_of3A, %multiple_of3A_418] : memref<1024x100000xf32, #tpu.memory_space<hbm>> -> memref<8x2048xf32, #tpu.memory_space<hbm>>
    tpu.enqueue_dma source(%dma_start3A_420 : memref<8x2048xf32, #tpu.memory_space<hbm>>) target(%arg4 : memref<8x2048xf32, #tpu.memory_space<vmem>>) target_semaphore(%arg7 : memref<!tpu.dma_semaphore, #tpu.memory_space<semaphore_mem>>)
    %dma_wait3A_421 = arith.constant 0 : i32
    %dma_wait3A_422 = arith.constant 0 : i32
    %dma_wait3A_423 = tpu.memref_slice %arg2[%dma_wait3A_421, %dma_wait3A_422] : memref<1024x100000xf32, #tpu.memory_space<hbm>> -> memref<8x2048xf32, #tpu.memory_space<hbm>>
    %dma_wait3A_424 = arith.constant 0 : i32
    %dma_wait3A_425 = arith.constant 0 : i32
    %dma_wait3A_426 = tpu.memref_slice %arg2[%dma_wait3A_424, %dma_wait3A_425] : memref<1024x100000xf32, #tpu.memory_space<hbm>> -> memref<8x2048xf32, #tpu.memory_space<hbm>>
    tpu.wait_dma2 semaphore(%arg8 : memref<!tpu.dma_semaphore, #tpu.memory_space<semaphore_mem>>) src(%dma_wait3A_426 : memref<8x2048xf32, #tpu.memory_space<hbm>>) dst(%arg5 : memref<8x2048xf32, #tpu.memory_space<vmem>>)
    %multiple_of3A_427 = arith.constant 88064 : i32
    %multiple_of3A_428 = tpu.assume_multiple %multiple_of3A_427, 128 : i32
    %dma_start3A_429 = tpu.memref_slice %arg2[%multiple_of3A, %multiple_of3A_428] : memref<1024x100000xf32, #tpu.memory_space<hbm>> -> memref<8x2048xf32, #tpu.memory_space<hbm>>
    %dma_start3A_430 = tpu.memref_slice %arg2[%multiple_of3A, %multiple_of3A_428] : memref<1024x100000xf32, #tpu.memory_space<hbm>> -> memref<8x2048xf32, #tpu.memory_space<hbm>>
    tpu.enqueue_dma source(%dma_start3A_430 : memref<8x2048xf32, #tpu.memory_space<hbm>>) target(%arg5 : memref<8x2048xf32, #tpu.memory_space<vmem>>) target_semaphore(%arg8 : memref<!tpu.dma_semaphore, #tpu.memory_space<semaphore_mem>>)
    %dma_wait3A_431 = arith.constant 0 : i32
    %dma_wait3A_432 = arith.constant 0 : i32
    %dma_wait3A_433 = tpu.memref_slice %arg2[%dma_wait3A_431, %dma_wait3A_432] : memref<1024x100000xf32, #tpu.memory_space<hbm>> -> memref<8x2048xf32, #tpu.memory_space<hbm>>
    %dma_wait3A_434 = arith.constant 0 : i32
    %dma_wait3A_435 = arith.constant 0 : i32
    %dma_wait3A_436 = tpu.memref_slice %arg2[%dma_wait3A_434, %dma_wait3A_435] : memref<1024x100000xf32, #tpu.memory_space<hbm>> -> memref<8x2048xf32, #tpu.memory_space<hbm>>
    tpu.wait_dma2 semaphore(%arg7 : memref<!tpu.dma_semaphore, #tpu.memory_space<semaphore_mem>>) src(%dma_wait3A_436 : memref<8x2048xf32, #tpu.memory_space<hbm>>) dst(%arg4 : memref<8x2048xf32, #tpu.memory_space<vmem>>)
    %multiple_of3A_437 = arith.constant 90112 : i32
    %multiple_of3A_438 = tpu.assume_multiple %multiple_of3A_437, 128 : i32
    %dma_start3A_439 = tpu.memref_slice %arg2[%multiple_of3A, %multiple_of3A_438] : memref<1024x100000xf32, #tpu.memory_space<hbm>> -> memref<8x2048xf32, #tpu.memory_space<hbm>>
    %dma_start3A_440 = tpu.memref_slice %arg2[%multiple_of3A, %multiple_of3A_438] : memref<1024x100000xf32, #tpu.memory_space<hbm>> -> memref<8x2048xf32, #tpu.memory_space<hbm>>
    tpu.enqueue_dma source(%dma_start3A_440 : memref<8x2048xf32, #tpu.memory_space<hbm>>) target(%arg4 : memref<8x2048xf32, #tpu.memory_space<vmem>>) target_semaphore(%arg7 : memref<!tpu.dma_semaphore, #tpu.memory_space<semaphore_mem>>)
    %dma_wait3A_441 = arith.constant 0 : i32
    %dma_wait3A_442 = arith.constant 0 : i32
    %dma_wait3A_443 = tpu.memref_slice %arg2[%dma_wait3A_441, %dma_wait3A_442] : memref<1024x100000xf32, #tpu.memory_space<hbm>> -> memref<8x2048xf32, #tpu.memory_space<hbm>>
    %dma_wait3A_444 = arith.constant 0 : i32
    %dma_wait3A_445 = arith.constant 0 : i32
    %dma_wait3A_446 = tpu.memref_slice %arg2[%dma_wait3A_444, %dma_wait3A_445] : memref<1024x100000xf32, #tpu.memory_space<hbm>> -> memref<8x2048xf32, #tpu.memory_space<hbm>>
    tpu.wait_dma2 semaphore(%arg8 : memref<!tpu.dma_semaphore, #tpu.memory_space<semaphore_mem>>) src(%dma_wait3A_446 : memref<8x2048xf32, #tpu.memory_space<hbm>>) dst(%arg5 : memref<8x2048xf32, #tpu.memory_space<vmem>>)
    %multiple_of3A_447 = arith.constant 92160 : i32
    %multiple_of3A_448 = tpu.assume_multiple %multiple_of3A_447, 128 : i32
    %dma_start3A_449 = tpu.memref_slice %arg2[%multiple_of3A, %multiple_of3A_448] : memref<1024x100000xf32, #tpu.memory_space<hbm>> -> memref<8x2048xf32, #tpu.memory_space<hbm>>
    %dma_start3A_450 = tpu.memref_slice %arg2[%multiple_of3A, %multiple_of3A_448] : memref<1024x100000xf32, #tpu.memory_space<hbm>> -> memref<8x2048xf32, #tpu.memory_space<hbm>>
    tpu.enqueue_dma source(%dma_start3A_450 : memref<8x2048xf32, #tpu.memory_space<hbm>>) target(%arg5 : memref<8x2048xf32, #tpu.memory_space<vmem>>) target_semaphore(%arg8 : memref<!tpu.dma_semaphore, #tpu.memory_space<semaphore_mem>>)
    %dma_wait3A_451 = arith.constant 0 : i32
    %dma_wait3A_452 = arith.constant 0 : i32
    %dma_wait3A_453 = tpu.memref_slice %arg2[%dma_wait3A_451, %dma_wait3A_452] : memref<1024x100000xf32, #tpu.memory_space<hbm>> -> memref<8x2048xf32, #tpu.memory_space<hbm>>
    %dma_wait3A_454 = arith.constant 0 : i32
    %dma_wait3A_455 = arith.constant 0 : i32
    %dma_wait3A_456 = tpu.memref_slice %arg2[%dma_wait3A_454, %dma_wait3A_455] : memref<1024x100000xf32, #tpu.memory_space<hbm>> -> memref<8x2048xf32, #tpu.memory_space<hbm>>
    tpu.wait_dma2 semaphore(%arg7 : memref<!tpu.dma_semaphore, #tpu.memory_space<semaphore_mem>>) src(%dma_wait3A_456 : memref<8x2048xf32, #tpu.memory_space<hbm>>) dst(%arg4 : memref<8x2048xf32, #tpu.memory_space<vmem>>)
    %multiple_of3A_457 = arith.constant 94208 : i32
    %multiple_of3A_458 = tpu.assume_multiple %multiple_of3A_457, 128 : i32
    %dma_start3A_459 = tpu.memref_slice %arg2[%multiple_of3A, %multiple_of3A_458] : memref<1024x100000xf32, #tpu.memory_space<hbm>> -> memref<8x2048xf32, #tpu.memory_space<hbm>>
    %dma_start3A_460 = tpu.memref_slice %arg2[%multiple_of3A, %multiple_of3A_458] : memref<1024x100000xf32, #tpu.memory_space<hbm>> -> memref<8x2048xf32, #tpu.memory_space<hbm>>
    tpu.enqueue_dma source(%dma_start3A_460 : memref<8x2048xf32, #tpu.memory_space<hbm>>) target(%arg4 : memref<8x2048xf32, #tpu.memory_space<vmem>>) target_semaphore(%arg7 : memref<!tpu.dma_semaphore, #tpu.memory_space<semaphore_mem>>)
    %dma_wait3A_461 = arith.constant 0 : i32
    %dma_wait3A_462 = arith.constant 0 : i32
    %dma_wait3A_463 = tpu.memref_slice %arg2[%dma_wait3A_461, %dma_wait3A_462] : memref<1024x100000xf32, #tpu.memory_space<hbm>> -> memref<8x2048xf32, #tpu.memory_space<hbm>>
    %dma_wait3A_464 = arith.constant 0 : i32
    %dma_wait3A_465 = arith.constant 0 : i32
    %dma_wait3A_466 = tpu.memref_slice %arg2[%dma_wait3A_464, %dma_wait3A_465] : memref<1024x100000xf32, #tpu.memory_space<hbm>> -> memref<8x2048xf32, #tpu.memory_space<hbm>>
    tpu.wait_dma2 semaphore(%arg8 : memref<!tpu.dma_semaphore, #tpu.memory_space<semaphore_mem>>) src(%dma_wait3A_466 : memref<8x2048xf32, #tpu.memory_space<hbm>>) dst(%arg5 : memref<8x2048xf32, #tpu.memory_space<vmem>>)
    %multiple_of3A_467 = arith.constant 96256 : i32
    %multiple_of3A_468 = tpu.assume_multiple %multiple_of3A_467, 128 : i32
    %dma_start3A_469 = tpu.memref_slice %arg2[%multiple_of3A, %multiple_of3A_468] : memref<1024x100000xf32, #tpu.memory_space<hbm>> -> memref<8x2048xf32, #tpu.memory_space<hbm>>
    %dma_start3A_470 = tpu.memref_slice %arg2[%multiple_of3A, %multiple_of3A_468] : memref<1024x100000xf32, #tpu.memory_space<hbm>> -> memref<8x2048xf32, #tpu.memory_space<hbm>>
    tpu.enqueue_dma source(%dma_start3A_470 : memref<8x2048xf32, #tpu.memory_space<hbm>>) target(%arg5 : memref<8x2048xf32, #tpu.memory_space<vmem>>) target_semaphore(%arg8 : memref<!tpu.dma_semaphore, #tpu.memory_space<semaphore_mem>>)
    %dma_wait3A_471 = arith.constant 0 : i32
    %dma_wait3A_472 = arith.constant 0 : i32
    %dma_wait3A_473 = tpu.memref_slice %arg2[%dma_wait3A_471, %dma_wait3A_472] : memref<1024x100000xf32, #tpu.memory_space<hbm>> -> memref<8x2048xf32, #tpu.memory_space<hbm>>
    %dma_wait3A_474 = arith.constant 0 : i32
    %dma_wait3A_475 = arith.constant 0 : i32
    %dma_wait3A_476 = tpu.memref_slice %arg2[%dma_wait3A_474, %dma_wait3A_475] : memref<1024x100000xf32, #tpu.memory_space<hbm>> -> memref<8x2048xf32, #tpu.memory_space<hbm>>
    tpu.wait_dma2 semaphore(%arg7 : memref<!tpu.dma_semaphore, #tpu.memory_space<semaphore_mem>>) src(%dma_wait3A_476 : memref<8x2048xf32, #tpu.memory_space<hbm>>) dst(%arg4 : memref<8x2048xf32, #tpu.memory_space<vmem>>)
    %dma_wait3A_477 = arith.constant 0 : i32
    %dma_wait3A_478 = arith.constant 0 : i32
    %dma_wait3A_479 = tpu.memref_slice %arg2[%dma_wait3A_477, %dma_wait3A_478] : memref<1024x100000xf32, #tpu.memory_space<hbm>> -> memref<8x2048xf32, #tpu.memory_space<hbm>>
    %dma_wait3A_480 = arith.constant 0 : i32
    %dma_wait3A_481 = arith.constant 0 : i32
    %dma_wait3A_482 = tpu.memref_slice %arg2[%dma_wait3A_480, %dma_wait3A_481] : memref<1024x100000xf32, #tpu.memory_space<hbm>> -> memref<8x2048xf32, #tpu.memory_space<hbm>>
    tpu.wait_dma2 semaphore(%arg8 : memref<!tpu.dma_semaphore, #tpu.memory_space<semaphore_mem>>) src(%dma_wait3A_482 : memref<8x2048xf32, #tpu.memory_space<hbm>>) dst(%arg5 : memref<8x2048xf32, #tpu.memory_space<vmem>>)
    %get3A = arith.constant 0 : i32
    %get3A_483 = arith.index_cast %get3A : i32 to index
    %get3A_484 = arith.constant 0 : index
    %get3A_485 = tpu.vector_load %arg4[%get3A_483, %get3A_484] {strides = array<i32>} : memref<8x2048xf32, #tpu.memory_space<vmem>>, vector<1x16xf32>,
    %get3A_486 = vector.shape_cast %get3A_485 : vector<1x16xf32> to vector<16xf32>
    %swap3A = arith.constant 0 : index
    %swap3A_487 = tpu.vector_load %arg6[%swap3A] {strides = array<i32>} : memref<16xf32, #tpu.memory_space<vmem>>, vector<16xf32>,
    %swap3A_488 = vector.shape_cast %swap3A_487 : vector<16xf32> to vector<16xf32>
    %swap3A_489 = vector.shape_cast %get3A_486 : vector<16xf32> to vector<16xf32>
    tpu.vector_store %arg6[%swap3A], %swap3A_489 {strides = array<i32>} : memref<16xf32, #tpu.memory_space<vmem>>, vector<16xf32>,
    %mul3A_490 = arith.constant 16 : i32
    %mul3A_491 = arith.muli %add3A, %mul3A_490 : i32
    "tpu.region"() ({
      %run_scoped3A = tpu.sem_alloc : memref<!tpu.dma_semaphore, #tpu.memory_space<semaphore_mem>>
      %dma_start3A_492 = tpu.memref_slice %arg3[%mul3A_491] : memref<512xf32, #tpu.memory_space<hbm>> -> memref<16xf32, #tpu.memory_space<hbm>>
      %dma_start3A_493 = tpu.memref_slice %arg3[%mul3A_491] : memref<512xf32, #tpu.memory_space<hbm>> -> memref<16xf32, #tpu.memory_space<hbm>>
      tpu.enqueue_dma source(%arg6 : memref<16xf32, #tpu.memory_space<vmem>>) target(%dma_start3A_493 : memref<16xf32, #tpu.memory_space<hbm>>) target_semaphore(%run_scoped3A : memref<!tpu.dma_semaphore, #tpu.memory_space<semaphore_mem>>)
      %dma_wait3A_494 = tpu.memref_slice %arg3[%mul3A_491] : memref<512xf32, #tpu.memory_space<hbm>> -> memref<16xf32, #tpu.memory_space<hbm>>
      %dma_wait3A_495 = tpu.memref_slice %arg3[%mul3A_491] : memref<512xf32, #tpu.memory_space<hbm>> -> memref<16xf32, #tpu.memory_space<hbm>>
      tpu.wait_dma2 semaphore(%run_scoped3A : memref<!tpu.dma_semaphore, #tpu.memory_space<semaphore_mem>>) src(%arg6 : memref<16xf32, #tpu.memory_space<vmem>>) dst(%dma_wait3A_495 : memref<16xf32, #tpu.memory_space<hbm>>)
      tpu.yield
    }) : () -> ()
    return
  }
}

module attributes {stable_mosaic.version = 14 : i64} {
  func.func @_probe_kernel(%arg0: i32, %arg1: memref<1024x1xi32, #tpu.memory_space<vmem>>, %arg2: memref<768x2048xf32, #tpu.memory_space<vmem>>, %arg3: memref<1x1xf32, #tpu.memory_space<smem>>, %arg4: memref<768x1xf32, #tpu.memory_space<vmem>>) attributes {dimension_semantics = [#tpu.dimension_semantics<arbitrary>], iteration_bounds = array<i64: 49>, scalar_prefetch = 0 : i64, scratch_operands = 1 : i64, tpu.core_type = #tpu.core_type<tc>, window_params = [{pipeline_mode = #tpu.pipeline_mode<synchronous>, transform_indices = @transform_0, window_bounds = array<i64: 1024, 1>}, {transform_indices = @transform_1, window_bounds = array<i64: 768, 2048>}, {transform_indices = @transform_2, window_bounds = array<i64: 1, 1>}]} {
    %get3A = arith.constant 0 : index
    %get3A_0 = arith.constant 0 : index
    %get3A_1 = vector.load %arg2[%get3A, %get3A_0] : memref<768x2048xf32, #tpu.memory_space<vmem>>, vector<768x2048xf32>
    %reduce_sum3A = arith.constant dense<0.000000e+00> : vector<768xf32>
    %reduce_sum3A_2 = vector.multi_reduction <add>, %get3A_1, %reduce_sum3A [1] : vector<768x2048xf32> to vector<768xf32>
    %broadcast_in_dim3A = vector.shape_cast %reduce_sum3A_2 : vector<768xf32> to vector<768x1xf32>
    %eq3A = arith.constant 0 : i32
    %eq3A_3 = arith.cmpi eq, %arg0, %eq3A : i32
    %convert_element_type3A = arith.extui %eq3A_3 : i1 to i32
    %cond3A = arith.constant 0 : i32
    %cond3A_4 = arith.cmpi ne, %convert_element_type3A, %cond3A : i32
    scf.if %cond3A_4 {
      %swap3A = arith.constant 0 : index
      %swap3A_14 = arith.constant 0 : index
      %swap3A_15 = vector.load %arg4[%swap3A, %swap3A_14] : memref<768x1xf32, #tpu.memory_space<vmem>>, vector<768x1xf32>
      tpu.vector_store %arg4[%swap3A, %swap3A_14], %broadcast_in_dim3A {strides = array<i32>} : memref<768x1xf32, #tpu.memory_space<vmem>>, vector<768x1xf32>,
    } else {
    }
    %gt3A = arith.constant 0 : i32
    %gt3A_5 = arith.cmpi sgt, %arg0, %gt3A : i32
    %convert_element_type3A_6 = arith.extui %gt3A_5 : i1 to i32
    %cond3A_7 = arith.constant 0 : i32
    %cond3A_8 = arith.cmpi ne, %convert_element_type3A_6, %cond3A_7 : i32
    scf.if %cond3A_8 {
      %get3A_14 = arith.constant 0 : index
      %get3A_15 = arith.constant 0 : index
      %get3A_16 = vector.load %arg4[%get3A_14, %get3A_15] : memref<768x1xf32, #tpu.memory_space<vmem>>, vector<768x1xf32>
      %add3A = arith.addf %get3A_16, %broadcast_in_dim3A : vector<768x1xf32>
      %swap3A = arith.constant 0 : index
      %swap3A_17 = arith.constant 0 : index
      %swap3A_18 = vector.load %arg4[%swap3A, %swap3A_17] : memref<768x1xf32, #tpu.memory_space<vmem>>, vector<768x1xf32>
      tpu.vector_store %arg4[%swap3A, %swap3A_17], %add3A {strides = array<i32>} : memref<768x1xf32, #tpu.memory_space<vmem>>, vector<768x1xf32>,
    } else {
    }
    %eq3A_9 = arith.constant 48 : i32
    %eq3A_10 = arith.cmpi eq, %arg0, %eq3A_9 : i32
    %convert_element_type3A_11 = arith.extui %eq3A_10 : i1 to i32
    %cond3A_12 = arith.constant 0 : i32
    %cond3A_13 = arith.cmpi ne, %convert_element_type3A_11, %cond3A_12 : i32
    scf.if %cond3A_13 {
      %get3A_14 = arith.constant 0 : index
      %get3A_15 = arith.constant 0 : index
      %get3A_16 = vector.load %arg4[%get3A_14, %get3A_15] : memref<768x1xf32, #tpu.memory_space<vmem>>, vector<768x1xf32>
      %reduce_sum3A_17 = vector.shape_cast %get3A_16 : vector<768x1xf32> to vector<1x768x1xf32>
      %reduce_sum3A_18 = arith.constant dense<0.000000e+00> : vector<1xf32>
      %reduce_sum3A_19 = vector.multi_reduction <add>, %reduce_sum3A_17, %reduce_sum3A_18 [1, 2] : vector<1x768x1xf32> to vector<1xf32>
      %reduce_sum3A_20 = vector.shape_cast %reduce_sum3A_19 : vector<1xf32> to vector<1x1x1xf32>
      %reduce_sum3A_21 = vector.extract %reduce_sum3A_20[0, 0, 0] : f32 from vector<1x1x1xf32>
      %swap3A = arith.constant 0 : index
      %swap3A_22 = arith.constant 0 : index
      %swap3A_23 = memref.load %arg3[%swap3A, %swap3A_22] : memref<1x1xf32, #tpu.memory_space<smem>>
      memref.store %reduce_sum3A_21, %arg3[%swap3A, %swap3A_22] : memref<1x1xf32, #tpu.memory_space<smem>>
    } else {
    }
    return
  }
  func.func @transform_0(%arg0: i32) -> (i32, i32) {
    %c0_i32 = arith.constant 0 : i32
    %c0_i32_0 = arith.constant 0 : i32
    %c0_i32_1 = arith.constant 0 : i32
    return %c0_i32, %c0_i32_0 : i32, i32
  }
  func.func @transform_1(%arg0: i32) -> (i32, i32) {
    %c0_i32 = arith.constant 0 : i32
    %c0_i32_0 = arith.constant 0 : i32
    return %c0_i32, %arg0 : i32, i32
  }
  func.func @transform_2(%arg0: i32) -> (i32, i32) {
    %c0_i32 = arith.constant 0 : i32
    %c0_i32_0 = arith.constant 0 : i32
    %c0_i32_1 = arith.constant 0 : i32
    return %c0_i32, %c0_i32_0 : i32, i32
  }
}

</mosaic_0001>

<sc_bundles>
// kernel: kernel.4.cloned.1.call-start
scs
__scs_entry_jumppad:
0x0: {  	(pc) =	sbr.rel $0x88, $3  }
0x1: {  	(tag) =	ssettag $0x0;
	lr =	simm.s32 $0x1  }
0x2: {  	[smem:$0x3F9F] =	sst lr;
	_ =	strace $0xD0000000  }
0x3: {  	_ = 	snop  }
0x4: {  	_ = 	snop  }
0x5: {  	_ = 	snop  }
0x6: {  	_ = 	snop  }
0x7: {  	_ = 	snop  }
__scs_overlays_trampoline_lowered:
0x8: {  	[smem:$0x3FAE] =	sst s0  }
0x9: {  	[smem:$0x3FAF] =	sst s1  }
0xa: {  	[smem:$0x3FB0] =	sst s2  }
0xb: {  	[smem:$0x3FB1] =	sst s3  }
0xc: {  	[smem:$0x3FB2] =	sst s4  }
0xd: {  	[smem:$0x3FB3] =	sst s5  }
0xe: {  	[smem:$0x3FB4] =	sst s6  }
0xf: {  	[smem:$0x3FB5] =	sst s7  }
0x10: {  	[smem:$0x3FB6] =	sst s8  }
0x11: {  	[smem:$0x3FB7] =	sst s9;
	s0 =	simm.s32 @!p0 $0x0  }
0x12: {  	s1 =	sld [smem:$0x3F9D];
	s0 =	simm.s32 @p0 $0x1  }
0x13: {  	[smem:$0x3FB8] =	sst s0;
	s0 =	simm.s32 @!p1 $0x0  }
0x14: {  	s2 =	sld [smem:$0x3F9C];
	s0 =	simm.s32 @p1 $0x1  }
0x15: {  	[smem:$0x3FB9] =	sst s0;
	s0 =	simm.s32 @!p2 $0x0  }
0x16: {  	s3 =	sld [smem:$0x3FDB];
	s0 =	simm.s32 @p2 $0x1  }
0x17: {  	s4 =	simm.s32 $0x1BF5;
	[smem:$0x3FBB] =	sst s0  }
0x18: {  	s0 =	sld [smem:$0x3F9E];
	_ =	swait.ge [sflag:s4], $0x0  }
0x19: {  	s7 =	sld [smem:$0x3F9F]  }
0x1a: {  	s8 =	sadd.s32 $0xFFFFE003, lr  }
0x1b: {  	s9 =	sadd.s32 $0xFFFFFEF7, lr;
	s5 =	simm.s32 $0xFFFFFFFF;
	p2 =	slt.u32 s8, $0xFFFFF086  }
0x1c: {  	p1 =	slt.u32 s9, $0xF7A;
	s5 =	simm.s32 @!p2 $0x0  }
0x1d: {  	s5 =	simm.s32 @p1 $0x1;
	p0 =	seq.s32 s7, s2  }
0x1e: {  	s7 =	smul.u32 @!p0 $0xF7A, s2;
	p2 =	seq.s32 @!p0 s5, $0x0  }
0x1f: {  	s9 =	smul.u32 $0xF7A, s1;
	s8 =	simm.s32 @!p0 $0x1BF5;
	p2 =	por !p2, p0  }
0x20: {  	[sflag:s8] =	ssyncset.s32 @!p0 $0xFFFFF086;
	s6 =	sadd.s32 @!p0 s3, s7;
	s7 =	simm.s32 @!p0 $0x108  }
0x21: {  	s3 =	sadd.s32 s3, s9;
	s6 =	sadd.s32 @!p0 $0x88, s6;
	s7 =	simm.s32 @p2 $0x1082  }
0x22: {  	[simem:s7], [sflag:s8] =	dma.local @!p0 [hbm:s6], $0xF7A  }
0x23: {  	s9 =	sor.u32 $0xD0000000, s2;
	s6 =	simm.s32 $0x108;
	_ =	swait.ge @!p0 [sflag:s8], $0x0  }
0x24: {  	s3 =	sadd.s32 $0x88, s3;
	s6 =	simm.s32 @!p1 $0x1082;
	[sflag:s4] =	ssyncset.s32 $0xFFFFF086  }
0x25: {  	[simem:s6], [sflag:s4] =	dma.local [hbm:s3], $0xF7A  }
0x26: {  	[smem:$0x3F9F] =	sst s1;
	(tag) =	ssettag s2;
	_ =	strace s9  }
0x27: {  	s1 =	sld [smem:$0x3FAF]  }
0x28: {  	s2 =	sld [smem:$0x3FB0]  }
0x29: {  	s4 =	sld [smem:$0x3FB2]  }
0x2a: {  	p0 =	seq.s32 s5, $0x0;
	s5 =	sld [smem:$0x3FB3]  }
0x2b: {  	s6 =	sld [smem:$0x3FB4]  }
0x2c: {  	s7 =	sld [smem:$0x3FB5]  }
0x2d: {  	s3 =	simm.s32 $0x108;
	s8 =	sld [smem:$0x3FB6]  }
0x2e: {  	s3 =	simm.s32 @!p0 $0x1082;
	s9 =	sld [smem:$0x3FB7]  }
0x2f: {  	lr =	sadd.s32 s0, s3;
	s0 =	sld [smem:$0x3FAE]  }
0x30: {  	s3 =	sld [smem:$0x3FB1]  }
0x31: {  	[smem:$0x3FBA] =	sst s10  }
0x32: {  	s10 =	sld [smem:$0x3FB8];
	_ =	sdelay $0x3  }
0x33: {  	p0 =	seq.s32 s10, $0x1;
	s10 =	sld [smem:$0x3FBA];
	_ =	sdelay $0x3  }
0x34: {  	[smem:$0x3FBA] =	sst s10  }
0x35: {  	s10 =	sld [smem:$0x3FB9];
	_ =	sdelay $0x3  }
0x36: {  	p1 =	seq.s32 s10, $0x1;
	s10 =	sld [smem:$0x3FBA];
	_ =	sdelay $0x3  }
0x37: {  	[smem:$0x3FBA] =	sst s10  }
0x38: {  	s10 =	sld [smem:$0x3FBB]  }
0x39: {  	_ = 	snop;
	(pc) =	sbr.ind lr, $3  }
0x3a: {  	_ = 	snop  }
0x3b: {  	_ = 	snop  }
0x3c: {  	p2 =	seq.s32 s10, $0x1;
	s10 =	sld [smem:$0x3FBA]  }
0x3d: {  	_ =	shalt  }
0x3e: {  	_ =	shalt  }
0x3f: {  	_ =	shalt  }
0x40: {  	_ =	shalt  }
0x41: {  	_ =	shalt  }
0x42: {  	_ =	shalt  }
0x43: {  	_ =	shalt  }
0x44: {  	_ =	shalt  }
0x45: {  	_ =	shalt  }
0x46: {  	_ =	shalt  }
0x47: {  	_ =	shalt  }
0x48: {  	_ =	shalt  }
0x49: {  	_ =	shalt  }
0x4a: {  	_ =	shalt  }
0x4b: {  	_ =	shalt  }
0x4c: {  	_ =	shalt  }
0x4d: {  	_ =	shalt  }
0x4e: {  	_ =	shalt  }
0x4f: {  	_ =	shalt  }
0x50: {  	_ =	shalt  }
0x51: {  	_ =	shalt  }
0x52: {  	_ =	shalt  }
0x53: {  	_ =	shalt  }
0x54: {  	_ =	shalt  }
0x55: {  	_ =	shalt  }
0x56: {  	_ =	shalt  }
0x57: {  	_ =	shalt  }
0x58: {  	_ =	shalt  }
0x59: {  	_ =	shalt  }
0x5a: {  	_ =	shalt  }
0x5b: {  	_ =	shalt  }
0x5c: {  	_ =	shalt  }
0x5d: {  	_ =	shalt  }
0x5e: {  	_ =	shalt  }
0x5f: {  	_ =	shalt  }
0x60: {  	_ =	shalt  }
0x61: {  	_ =	shalt  }
0x62: {  	_ =	shalt  }
0x63: {  	_ =	shalt  }
0x64: {  	_ =	shalt  }
0x65: {  	_ =	shalt  }
0x66: {  	_ =	shalt  }
0x67: {  	_ =	shalt  }
0x68: {  	_ =	shalt  }
0x69: {  	_ =	shalt  }
0x6a: {  	_ =	shalt  }
0x6b: {  	_ =	shalt  }
0x6c: {  	_ =	shalt  }
0x6d: {  	_ =	shalt  }
0x6e: {  	_ =	shalt  }
0x6f: {  	_ =	shalt  }
0x70: {  	_ =	shalt  }
0x71: {  	_ =	shalt  }
0x72: {  	_ =	shalt  }
0x73: {  	_ =	shalt  }
0x74: {  	_ =	shalt  }
0x75: {  	_ =	shalt  }
0x76: {  	_ =	shalt  }
0x77: {  	_ =	shalt  }
0x78: {  	_ =	shalt  }
0x79: {  	_ =	shalt  }
0x7a: {  	_ =	shalt  }
0x7b: {  	_ =	shalt  }
0x7c: {  	_ =	shalt  }
0x7d: {  	_ =	shalt  }
0x7e: {  	_ =	shalt  }
0x7f: {  	_ =	shalt  }
0x80: {  	_ =	shalt  }
0x81: {  	_ =	shalt  }
0x82: {  	_ =	shalt  }
0x83: {  	_ =	shalt  }
0x84: {  	_ =	shalt  }
0x85: {  	_ =	shalt  }
0x86: {  	_ =	shalt  }
0x87: {  	_ =	shalt  }
.Lfunc_end0:
.L_simem_size_0:
called_computation_lowered:
.L_overlay_start_0:
0x88: {  	s2 =	sld [smem:$0x3FD9]  }
0x89: {  	s3 =	sld [smem:$0x3FFE];
	_ =	sdelay $0x1  }
0x8a: {  	s1 =	srdreg.scid  }
0x8b: {  	s0 =	sand.u32 $0x1, s1  }
0x8c: {  	s16 =	sshll.u32 s0, $0xA;
	s2 =	sadd.s32 s3, s2  }
0x8d: {  	s2 =	sadd.s32 s2, s16  }
0x8e: {  	[smem:$0x3FC6] =	sst s2  }
0x8f: {  	_ = 	snop  }
0x90: {  	(tm) =	ssettm $0x1  }
0x91: {  	s17 =	sld [smem:$0x3FFB];
	_ =	sdelay $0x3  }
0x92: {  	_ =	strace s17  }
0x93: {  	s2 =	sld [smem:$0x3FFC];
	_ =	sdelay $0x3  }
0x94: {  	_ =	strace s2  }
0x95: {  	s2 =	sld [smem:$0x3FFD];
	_ =	sdelay $0x3  }
0x96: {  	_ =	strace s2  }
0x97: {  	_ =	strace $0x8FFFFFFF  }
0x98: {  	s18 =	sld [smem:$0x3FDB];
	_ =	sdelay $0x1  }
0x99: {  	s19 =	simm.s32 $_scs_section_size  }
0x9a: {  	s4 =	simm.s32 $_size__tile_overlayer_lowered;
	s5 =	simm.s32 $_tile_overlayer_lowered  }
0x9b: {  	s22 =	simm.s32 $0x1BFF;
	s21 =	sshll.u32 s5, $0x1;
	s2 =	sadd.s32 s19, s18  }
0x9c: {  	s6 =	simm.s32 $0x0;
	s20 =	sshll.u32 s4, $0x1;
	s4 =	sadd.s32 s21, s2  }
0x9d: {  	[timem:s6], [sflag:s22] =	dma.local [hbm:s4], s20  }
0x9e: {  	_ =	swait.ge [sflag:s22], s20  }
0x9f: {  	s3 =	ssub.s32 $0x0, s20;
	[sflag:s22] =	ssyncset.done $0x0  }
0xa0: {  	[sflag:s22] =	ssyncadd.s32 s3;
	_ =	sdelay $0x1  }
0xa1: {  	s23 =	simm.s32 $0x1B8B  }
0xa2: {  	_ =	swait.ge [sflag:s23], $0x1  }
0xa3: {  	[sflag:s23] =	ssyncset.done $0x0  }
0xa4: {  	s25 =	simm.s32 $0x1B8E;
	s24 =	sld [smem:$0x3FFE];
	[sflag:s23] =	ssyncadd.s32 $0xFFFFFFFF  }
0xa5: {  	s26 =	simm.s32 $execute0_lowered;
	[smem:$0x3FD2] =	sst s25  }
0xa6: {  	s4 =	sshll.u32 s26, $0x1;
	_ =	strace $0x80000046;
	[dreg:$0x1] =	wrdreg $0xFFFFFFFF  }
0xa7: {  	s28 =	simm.s32 $_size_execute0_lowered;
	s2 =	sadd.s32 s2, s4;
	[dreg:$0x0] =	wrdreg $0x0  }
0xa8: {  	s4 =	sshll.u32 s28, $0x1;
	[dreg:$0x2] =	wrdreg s2  }
0xa9: {  	[dreg:$0x3] =	wrdreg s4  }
0xaa: {  	[dreg:$0x4] =	wrdreg $0xC0  }
0xab: {  	_ =	task [dreg:s6], $0x5FFFF  }
0xac: {  	[dreg:$0x1] =	wrdreg $0xFFFFFFFF  }
0xad: {  	[dreg:$0x0] =	wrdreg $0x60  }
0xae: {  	[dreg:$0x2] =	wrdreg s24  }
0xaf: {  	[dreg:$0x3] =	wrdreg $0x9  }
0xb0: {  	_ =	task.clear_ibuf [dreg:s6], $0x4FFFF;
	_ =	strace $0x90000046  }
0xb1: {  	s29 =	simm.s32 $0x9;
	_ =	strace $0x80000048  }
0xb2: {  	_ =	swait.ge [sflag:s29], $0x1  }
0xb3: {  	[sflag:s29] =	ssyncadd.s32 $0xFFFFFFFF  }
0xb4: {  	_ =	strace $0x90000048  }
0xb5: {  	_ =	sfence  }
0xb6: {  	s30 =	sld [smem:$0x0];
	_ =	sdelay $0x2  }
0xb7: {  	s31 =	sshll.u32 s1, $0xD;
	s1 =	sshrl.u32 s1, $0x2  }
0xb8: {  	s3 =	sand.u32 $0x4000, s31;
	s1 =	sadd.s32 s1, s30  }
0xb9: {  	s0 =	sor.u32 s3, s0;
	s1 =	sshll.u32 s1, $0x11  }
0xba: {  	s0 =	sor.u32 s1, s0  }
0xbb: {  	s0 =	sadd.s32 $0x8F2B, s0  }
0xbc: {  	[sflag:s0] =	ssyncadd.remote.s32 $0x1  }
0xbd: {  	_ =	sfence.sel $0xFFFF  }
0xbe: {  	[dreg:$0x0] =	wrdreg $0xFFFFFFFF;
	(pc) =	sbr.abs _section_cstart, $3  }
0xbf: {  	[dreg:$0x1] =	wrdreg $0xFFFFFFFF  }
0xc0: {  	_ =	task.clear_ibuf [dreg:s6], $0x2FFFF;
	_ =	strace $0x9FFFFFFF  }
0xc1: {  	(tm) =	ssettm $0x7FFFFFFF  }
tec
execute0_lowered:
.L_overlay_start_1:
0x0: {  	(tag) =	ssettag $0x1  }
0x1: {  	s0 =	srdreg.scid;
	s1 =	stileid.u32  }
0x2: {  	s0 =	sand.u32 $0x1, s0;
	s1 =	sshll.u32 s1, $0x1  }
0x3: {  	s3 =	sor.u32 s0, s1  }
0x4: {  	s4 =	rddreg [dreg:$0x0];
	s2 =	simm.s32 $0x0;
	s1 =	smul.u32 $0xC3800, s3  }
0x5: {  	p0 =	por $0x0, $0x0;
	[smem:$0x7FF] =	sst s2  }
0x6: {  	_ =	strace $0x80000047;
	s3 =	sshll.u32 s3, $0x1;
	s1 =	sshrl.u32 s1, $0x3  }
0x7: {  	s0 =	ssub.s32 $0x2, s0;
	s3 =	sadd.s32 s3, s4;
	s1 =	sadd.s32 s1, s4  }
0x8: {  	s13 =	sshrl.u32 s0, $0x1;
	s3 =	sadd.s32 $0xC38200, s3;
	s5 =	sadd.s32 $0x92A200, s1  }
0x9: {  	s4 =	ssub.s32 s0, s13;
	s9 =	sadd.s32 $0x92AA00, s1;
	[dreg:$0x2] =	wrdreg s5  }
0xa: {  	s10 =	sadd.s32 $0x92B200, s1;
	s11 =	sadd.s32 $0x92BA00, s1;
	[dreg:$0x3] =	wrdreg s9  }
0xb: {  	s12 =	sadd.s32 $0x92C200, s1;
	s6 =	sadd.s32 $0x92CA00, s1;
	[dreg:$0x4] =	wrdreg s10  }
0xc: {  	s14 =	sadd.s32 $0x92D200, s1;
	s15 =	sadd.s32 $0x92DA00, s1;
	[dreg:$0x5] =	wrdreg s11  }
0xd: {  	s16 =	sadd.s32 $0x92E200, s1;
	s17 =	sadd.s32 $0x92EA00, s1;
	[dreg:$0x6] =	wrdreg s12  }
0xe: {  	s18 =	sadd.s32 $0x92F200, s1;
	s19 =	sadd.s32 $0x92FA00, s1;
	[dreg:$0x7] =	wrdreg s6  }
0xf: {  	s7 =	sadd.s32 $0x930200, s1;
	s20 =	sadd.s32 $0x930A00, s1;
	[dreg:$0x8] =	wrdreg s14  }
0x10: {  	s8 =	sadd.s32 $0x931200, s1;
	s21 =	sadd.s32 $0x931A00, s1;
	[dreg:$0x9] =	wrdreg s15  }
0x11: {  	s22 =	sadd.s32 $0x932A00, s1;
	s23 =	sadd.s32 $0x933A00, s1;
	[dreg:$0xa] =	wrdreg s16  }
0x12: {  	s13 =	sadd.s32 $0x936200, s1;
	s31 =	sadd.s32 $0x937200, s1;
	[dreg:$0xb] =	wrdreg s17  }
0x13: {  	s30 =	sadd.s32 $0x937A00, s1;
	s29 =	sadd.s32 $0x938200, s1;
	[dreg:$0xc] =	wrdreg s18  }
0x14: {  	s28 =	sadd.s32 $0x938A00, s1;
	s26 =	sadd.s32 $0x939200, s1;
	[dreg:$0xd] =	wrdreg s19  }
0x15: {  	s25 =	sadd.s32 $0x939A00, s1;
	s24 =	sadd.s32 $0x93A200, s1;
	[dreg:$0xe] =	wrdreg s7  }
0x16: {  	s9 =	sadd.s32 $0x932200, s1;
	s10 =	sadd.s32 $0x933200, s1;
	[dreg:$0xf] =	wrdreg s20  }
0x17: {  	s11 =	sadd.s32 $0x934200, s1;
	s14 =	sadd.s32 $0x934A00, s1;
	[dreg:$0x10] =	wrdreg s8  }
0x18: {  	s12 =	sadd.s32 $0x935200, s1;
	s15 =	sadd.s32 $0x935A00, s1;
	[dreg:$0x11] =	wrdreg s21  }
0x19: {  	s6 =	sadd.s32 $0x936A00, s1;
	[dreg:$0x15] =	wrdreg s23;
	s23 =	sadd.s32 $0x93AA00, s1  }
0x1a: {  	[dreg:$0x13] =	wrdreg s22;
	s22 =	sadd.s32 $0x93B200, s1;
	s21 =	sadd.s32 $0x93BA00, s1  }
0x1b: {  	s20 =	sadd.s32 $0x93C200, s1;
	s19 =	sadd.s32 $0x93CA00, s1;
	[dreg:$0x1a] =	wrdreg s13  }
0x1c: {  	s18 =	sadd.s32 $0x93D200, s1;
	s17 =	sadd.s32 $0x93DA00, s1;
	[dreg:$0x12] =	wrdreg s9  }
0x1d: {  	s16 =	sadd.s32 $0x93E200, s1;
	s13 =	sadd.s32 $0x93FA00, s1;
	[dreg:$0x14] =	wrdreg s10  }
0x1e: {  	s8 =	sadd.s32 $0x941200, s1;
	[dreg:$0x16] =	wrdreg s11;
	s11 =	smax.u32 s4, $0x1  }
0x1f: {  	s5 =	sadd.s32 $0x941A00, s1;
	[dreg:$0x17] =	wrdreg s14;
	p1 =	sne.s32 s11, $0x1  }
.Ltmp0:
0x20: {  	s7 =	simm.s32 $0x2;
	[dreg:$0x18] =	wrdreg s12;
	(pc) =	sbr.rel @!p1 .LBB2_3-.Ltmp0, $4  }
0x21: {  	[dreg:$0x19] =	wrdreg s15;
	s15 =	sadd.s32 $0x93EA00, s1;
	s14 =	sadd.s32 $0x93F200, s1  }
0x22: {  	s12 =	sadd.s32 $0x940200, s1;
	[dreg:$0x1b] =	wrdreg s6;
	s10 =	sadd.s32 $0x940A00, s1  }
0x23: {  	s9 =	simm.s32 $0x1;
	s6 =	simm.s32 $0x8000;
	s4 =	simm.s32 $0x3  }
0x24: {  	s0 =	rddreg [dreg:$0x2];
	s1 =	sadd.s32 $0xFFFFFFFF, s11;
	s11 =	simm.s32 $0x4000  }
0x25: {  	[dreg:$0x1c] =	wrdreg s1  }
0x26: {  	[tilespmem:s2], [sflag:$0x1] =	stream.linear.gather [hbm4b:s0+s2], $0x4000, $0x38;
	[tilespmem:$0x8080] =	vst v63  }
0x27: {  	s1 =	rddreg [dreg:$0x3]  }
0x28: {  	[tilespmem:s11], [sflag:$0x2] =	stream.linear.gather [hbm4b:s1+s2], $0x4000, $0x38;
	[tilespmem:$0x8080] =	vst v63  }
0x29: {  	_ =	swait.ge [sflag:s9], $0x4000  }
0x2a: {  	[sflag:s9] =	ssyncset.done $0x0  }
0x2b: {  	s1 =	rddreg [dreg:$0x4];
	[sflag:s9] =	ssyncadd.s32 $0xFFFFC000  }
0x2c: {  	[tilespmem:s2], [sflag:$0x1] =	stream.linear.gather [hbm4b:s1+s2], $0x4000, $0x38;
	[tilespmem:$0x8080] =	vst v63  }
0x2d: {  	_ =	swait.ge [sflag:s7], $0x4000  }
0x2e: {  	[sflag:s7] =	ssyncset.done $0x0  }
0x2f: {  	s1 =	rddreg [dreg:$0x5];
	[sflag:s7] =	ssyncadd.s32 $0xFFFFC000  }
0x30: {  	[tilespmem:s11], [sflag:$0x2] =	stream.linear.gather [hbm4b:s1+s2], $0x4000, $0x38;
	[tilespmem:$0x8080] =	vst v63  }
0x31: {  	_ =	swait.ge [sflag:s9], $0x4000  }
0x32: {  	[sflag:s9] =	ssyncset.done $0x0  }
0x33: {  	s1 =	rddreg [dreg:$0x6];
	[sflag:s9] =	ssyncadd.s32 $0xFFFFC000  }
0x34: {  	[tilespmem:s2], [sflag:$0x1] =	stream.linear.gather [hbm4b:s1+s2], $0x4000, $0x38;
	[tilespmem:$0x8080] =	vst v63  }
0x35: {  	_ =	swait.ge [sflag:s7], $0x4000  }
0x36: {  	[sflag:s7] =	ssyncset.done $0x0  }
0x37: {  	s1 =	rddreg [dreg:$0x7];
	[sflag:s7] =	ssyncadd.s32 $0xFFFFC000  }
0x38: {  	[tilespmem:s11], [sflag:$0x2] =	stream.linear.gather [hbm4b:s1+s2], $0x4000, $0x38;
	[tilespmem:$0x8080] =	vst v63  }
0x39: {  	_ =	swait.ge [sflag:s9], $0x4000  }
0x3a: {  	[sflag:s9] =	ssyncset.done $0x0  }
0x3b: {  	s1 =	rddreg [dreg:$0x8];
	[sflag:s9] =	ssyncadd.s32 $0xFFFFC000  }
0x3c: {  	[tilespmem:s2], [sflag:$0x1] =	stream.linear.gather [hbm4b:s1+s2], $0x4000, $0x38;
	[tilespmem:$0x8080] =	vst v63  }
0x3d: {  	_ =	swait.ge [sflag:s7], $0x4000  }
0x3e: {  	[sflag:s7] =	ssyncset.done $0x0  }
0x3f: {  	s1 =	rddreg [dreg:$0x9];
	[sflag:s7] =	ssyncadd.s32 $0xFFFFC000  }
0x40: {  	[tilespmem:s11], [sflag:$0x2] =	stream.linear.gather [hbm4b:s1+s2], $0x4000, $0x38;
	[tilespmem:$0x8080] =	vst v63  }
0x41: {  	_ =	swait.ge [sflag:s9], $0x4000  }
0x42: {  	[sflag:s9] =	ssyncset.done $0x0  }
0x43: {  	s1 =	rddreg [dreg:$0xa];
	[sflag:s9] =	ssyncadd.s32 $0xFFFFC000  }
0x44: {  	[tilespmem:s2], [sflag:$0x1] =	stream.linear.gather [hbm4b:s1+s2], $0x4000, $0x38;
	[tilespmem:$0x8080] =	vst v63  }
0x45: {  	_ =	swait.ge [sflag:s7], $0x4000  }
0x46: {  	[sflag:s7] =	ssyncset.done $0x0  }
0x47: {  	s1 =	rddreg [dreg:$0xb];
	[sflag:s7] =	ssyncadd.s32 $0xFFFFC000  }
0x48: {  	[tilespmem:s11], [sflag:$0x2] =	stream.linear.gather [hbm4b:s1+s2], $0x4000, $0x38;
	[tilespmem:$0x8080] =	vst v63  }
0x49: {  	_ =	swait.ge [sflag:s9], $0x4000  }
0x4a: {  	[sflag:s9] =	ssyncset.done $0x0  }
0x4b: {  	s1 =	rddreg [dreg:$0xc];
	[sflag:s9] =	ssyncadd.s32 $0xFFFFC000  }
0x4c: {  	[tilespmem:s2], [sflag:$0x1] =	stream.linear.gather [hbm4b:s1+s2], $0x4000, $0x38;
	[tilespmem:$0x8080] =	vst v63  }
0x4d: {  	_ =	swait.ge [sflag:s7], $0x4000  }
0x4e: {  	[sflag:s7] =	ssyncset.done $0x0  }
0x4f: {  	s1 =	rddreg [dreg:$0xd];
	[sflag:s7] =	ssyncadd.s32 $0xFFFFC000  }
0x50: {  	[tilespmem:s11], [sflag:$0x2] =	stream.linear.gather [hbm4b:s1+s2], $0x4000, $0x38;
	[tilespmem:$0x8080] =	vst v63  }
0x51: {  	_ =	swait.ge [sflag:s9], $0x4000  }
0x52: {  	[sflag:s9] =	ssyncset.done $0x0  }
0x53: {  	s1 =	rddreg [dreg:$0xe];
	[sflag:s9] =	ssyncadd.s32 $0xFFFFC000  }
0x54: {  	[tilespmem:s2], [sflag:$0x1] =	stream.linear.gather [hbm4b:s1+s2], $0x4000, $0x38;
	[tilespmem:$0x8080] =	vst v63  }
0x55: {  	_ =	swait.ge [sflag:s7], $0x4000  }
0x56: {  	[sflag:s7] =	ssyncset.done $0x0  }
0x57: {  	s1 =	rddreg [dreg:$0xf];
	[sflag:s7] =	ssyncadd.s32 $0xFFFFC000  }
0x58: {  	[tilespmem:s11], [sflag:$0x2] =	stream.linear.gather [hbm4b:s1+s2], $0x4000, $0x38;
	[tilespmem:$0x8080] =	vst v63  }
0x59: {  	_ =	swait.ge [sflag:s9], $0x4000  }
0x5a: {  	[sflag:s9] =	ssyncset.done $0x0  }
0x5b: {  	s1 =	rddreg [dreg:$0x10];
	[sflag:s9] =	ssyncadd.s32 $0xFFFFC000  }
0x5c: {  	[tilespmem:s2], [sflag:$0x1] =	stream.linear.gather [hbm4b:s1+s2], $0x4000, $0x38;
	[tilespmem:$0x8080] =	vst v63  }
0x5d: {  	_ =	swait.ge [sflag:s7], $0x4000  }
0x5e: {  	[sflag:s7] =	ssyncset.done $0x0  }
0x5f: {  	s1 =	rddreg [dreg:$0x11];
	[sflag:s7] =	ssyncadd.s32 $0xFFFFC000  }
0x60: {  	[tilespmem:s11], [sflag:$0x2] =	stream.linear.gather [hbm4b:s1+s2], $0x4000, $0x38;
	[tilespmem:$0x8080] =	vst v63  }
0x61: {  	_ =	swait.ge [sflag:s9], $0x4000  }
0x62: {  	[sflag:s9] =	ssyncset.done $0x0  }
0x63: {  	s1 =	rddreg [dreg:$0x12];
	[sflag:s9] =	ssyncadd.s32 $0xFFFFC000  }
0x64: {  	[tilespmem:s2], [sflag:$0x1] =	stream.linear.gather [hbm4b:s1+s2], $0x4000, $0x38;
	[tilespmem:$0x8080] =	vst v63  }
0x65: {  	_ =	swait.ge [sflag:s7], $0x4000  }
0x66: {  	[sflag:s7] =	ssyncset.done $0x0  }
0x67: {  	s1 =	rddreg [dreg:$0x13];
	[sflag:s7] =	ssyncadd.s32 $0xFFFFC000  }
0x68: {  	[tilespmem:s11], [sflag:$0x2] =	stream.linear.gather [hbm4b:s1+s2], $0x4000, $0x38;
	[tilespmem:$0x8080] =	vst v63  }
0x69: {  	_ =	swait.ge [sflag:s9], $0x4000  }
0x6a: {  	[sflag:s9] =	ssyncset.done $0x0  }
0x6b: {  	s1 =	rddreg [dreg:$0x14];
	[sflag:s9] =	ssyncadd.s32 $0xFFFFC000  }
0x6c: {  	[tilespmem:s2], [sflag:$0x1] =	stream.linear.gather [hbm4b:s1+s2], $0x4000, $0x38;
	[tilespmem:$0x8080] =	vst v63  }
0x6d: {  	_ =	swait.ge [sflag:s7], $0x4000  }
0x6e: {  	[sflag:s7] =	ssyncset.done $0x0  }
0x6f: {  	s1 =	rddreg [dreg:$0x15];
	[sflag:s7] =	ssyncadd.s32 $0xFFFFC000  }
0x70: {  	[tilespmem:s11], [sflag:$0x2] =	stream.linear.gather [hbm4b:s1+s2], $0x4000, $0x38;
	[tilespmem:$0x8080] =	vst v63  }
0x71: {  	_ =	swait.ge [sflag:s9], $0x4000  }
0x72: {  	[sflag:s9] =	ssyncset.done $0x0  }
0x73: {  	s1 =	rddreg [dreg:$0x16];
	[sflag:s9] =	ssyncadd.s32 $0xFFFFC000  }
0x74: {  	[tilespmem:s2], [sflag:$0x1] =	stream.linear.gather [hbm4b:s1+s2], $0x4000, $0x38;
	[tilespmem:$0x8080] =	vst v63  }
0x75: {  	_ =	swait.ge [sflag:s7], $0x4000  }
0x76: {  	[sflag:s7] =	ssyncset.done $0x0  }
0x77: {  	s1 =	rddreg [dreg:$0x17];
	[sflag:s7] =	ssyncadd.s32 $0xFFFFC000  }
0x78: {  	[tilespmem:s11], [sflag:$0x2] =	stream.linear.gather [hbm4b:s1+s2], $0x4000, $0x38;
	[tilespmem:$0x8080] =	vst v63  }
0x79: {  	_ =	swait.ge [sflag:s9], $0x4000  }
0x7a: {  	[sflag:s9] =	ssyncset.done $0x0  }
0x7b: {  	s1 =	rddreg [dreg:$0x18];
	[sflag:s9] =	ssyncadd.s32 $0xFFFFC000  }
0x7c: {  	[tilespmem:s2], [sflag:$0x1] =	stream.linear.gather [hbm4b:s1+s2], $0x4000, $0x38;
	[tilespmem:$0x8080] =	vst v63  }
0x7d: {  	_ =	swait.ge [sflag:s7], $0x4000  }
0x7e: {  	[sflag:s7] =	ssyncset.done $0x0  }
0x7f: {  	s1 =	rddreg [dreg:$0x19];
	[sflag:s7] =	ssyncadd.s32 $0xFFFFC000  }
0x80: {  	[tilespmem:s11], [sflag:$0x2] =	stream.linear.gather [hbm4b:s1+s2], $0x4000, $0x38;
	[tilespmem:$0x8080] =	vst v63  }
0x81: {  	_ =	swait.ge [sflag:s9], $0x4000  }
0x82: {  	[sflag:s9] =	ssyncset.done $0x0  }
0x83: {  	s1 =	rddreg [dreg:$0x1a];
	[sflag:s9] =	ssyncadd.s32 $0xFFFFC000  }
0x84: {  	[tilespmem:s2], [sflag:$0x1] =	stream.linear.gather [hbm4b:s1+s2], $0x4000, $0x38;
	[tilespmem:$0x8080] =	vst v63  }
0x85: {  	_ =	swait.ge [sflag:s7], $0x4000  }
0x86: {  	[sflag:s7] =	ssyncset.done $0x0  }
0x87: {  	s1 =	rddreg [dreg:$0x1b];
	[sflag:s7] =	ssyncadd.s32 $0xFFFFC000  }
0x88: {  	[tilespmem:s11], [sflag:$0x2] =	stream.linear.gather [hbm4b:s1+s2], $0x4000, $0x38;
	[tilespmem:$0x8080] =	vst v63  }
0x89: {  	_ =	swait.ge [sflag:s9], $0x4000  }
0x8a: {  	[sflag:s9] =	ssyncset.done $0x0  }
0x8b: {  	[sflag:s9] =	ssyncadd.s32 $0xFFFFC000  }
0x8c: {  	[tilespmem:s2], [sflag:$0x1] =	stream.linear.gather [hbm4b:s31+s2], $0x4000, $0x38;
	[tilespmem:$0x8080] =	vst v63  }
0x8d: {  	_ =	swait.ge [sflag:s7], $0x4000  }
0x8e: {  	[sflag:s7] =	ssyncset.done $0x0  }
0x8f: {  	[sflag:s7] =	ssyncadd.s32 $0xFFFFC000  }
0x90: {  	[tilespmem:s11], [sflag:$0x2] =	stream.linear.gather [hbm4b:s30+s2], $0x4000, $0x38;
	[tilespmem:$0x8080] =	vst v63  }
0x91: {  	_ =	swait.ge [sflag:s9], $0x4000  }
0x92: {  	[sflag:s9] =	ssyncset.done $0x0  }
0x93: {  	[sflag:s9] =	ssyncadd.s32 $0xFFFFC000  }
0x94: {  	[tilespmem:s2], [sflag:$0x1] =	stream.linear.gather [hbm4b:s29+s2], $0x4000, $0x38;
	[tilespmem:$0x8080] =	vst v63  }
0x95: {  	_ =	swait.ge [sflag:s7], $0x4000  }
0x96: {  	[sflag:s7] =	ssyncset.done $0x0  }
0x97: {  	[sflag:s7] =	ssyncadd.s32 $0xFFFFC000  }
0x98: {  	[tilespmem:s11], [sflag:$0x2] =	stream.linear.gather [hbm4b:s28+s2], $0x4000, $0x38;
	[tilespmem:$0x8080] =	vst v63  }
0x99: {  	_ =	swait.ge [sflag:s9], $0x4000  }
0x9a: {  	[sflag:s9] =	ssyncset.done $0x0  }
0x9b: {  	[sflag:s9] =	ssyncadd.s32 $0xFFFFC000  }
0x9c: {  	[tilespmem:s2], [sflag:$0x1] =	stream.linear.gather [hbm4b:s26+s2], $0x4000, $0x38;
	[tilespmem:$0x8080] =	vst v63  }
0x9d: {  	_ =	swait.ge [sflag:s7], $0x4000  }
0x9e: {  	[sflag:s7] =	ssyncset.done $0x0  }
0x9f: {  	[sflag:s7] =	ssyncadd.s32 $0xFFFFC000  }
0xa0: {  	[tilespmem:s11], [sflag:$0x2] =	stream.linear.gather [hbm4b:s25+s2], $0x4000, $0x38;
	[tilespmem:$0x8080] =	vst v63  }
0xa1: {  	_ =	swait.ge [sflag:s9], $0x4000  }
0xa2: {  	[sflag:s9] =	ssyncset.done $0x0  }
0xa3: {  	[sflag:s9] =	ssyncadd.s32 $0xFFFFC000  }
0xa4: {  	[tilespmem:s2], [sflag:$0x1] =	stream.linear.gather [hbm4b:s24+s2], $0x4000, $0x38;
	[tilespmem:$0x8080] =	vst v63  }
0xa5: {  	_ =	swait.ge [sflag:s7], $0x4000  }
0xa6: {  	[sflag:s7] =	ssyncset.done $0x0  }
0xa7: {  	[sflag:s7] =	ssyncadd.s32 $0xFFFFC000  }
0xa8: {  	[tilespmem:s11], [sflag:$0x2] =	stream.linear.gather [hbm4b:s23+s2], $0x4000, $0x38;
	[tilespmem:$0x8080] =	vst v63  }
0xa9: {  	_ =	swait.ge [sflag:s9], $0x4000  }
0xaa: {  	[sflag:s9] =	ssyncset.done $0x0  }
0xab: {  	[sflag:s9] =	ssyncadd.s32 $0xFFFFC000  }
0xac: {  	[tilespmem:s2], [sflag:$0x1] =	stream.linear.gather [hbm4b:s22+s2], $0x4000, $0x38;
	[tilespmem:$0x8080] =	vst v63  }
0xad: {  	_ =	swait.ge [sflag:s7], $0x4000  }
0xae: {  	[sflag:s7] =	ssyncset.done $0x0  }
0xaf: {  	[sflag:s7] =	ssyncadd.s32 $0xFFFFC000  }
0xb0: {  	[tilespmem:s11], [sflag:$0x2] =	stream.linear.gather [hbm4b:s21+s2], $0x4000, $0x38;
	[tilespmem:$0x8080] =	vst v63  }
0xb1: {  	_ =	swait.ge [sflag:s9], $0x4000  }
0xb2: {  	[sflag:s9] =	ssyncset.done $0x0  }
0xb3: {  	[sflag:s9] =	ssyncadd.s32 $0xFFFFC000  }
0xb4: {  	[tilespmem:s2], [sflag:$0x1] =	stream.linear.gather [hbm4b:s20+s2], $0x4000, $0x38;
	[tilespmem:$0x8080] =	vst v63  }
0xb5: {  	_ =	swait.ge [sflag:s7], $0x4000  }
0xb6: {  	[sflag:s7] =	ssyncset.done $0x0  }
0xb7: {  	[sflag:s7] =	ssyncadd.s32 $0xFFFFC000  }
0xb8: {  	[tilespmem:s11], [sflag:$0x2] =	stream.linear.gather [hbm4b:s19+s2], $0x4000, $0x38;
	[tilespmem:$0x8080] =	vst v63  }
0xb9: {  	_ =	swait.ge [sflag:s9], $0x4000  }
0xba: {  	[sflag:s9] =	ssyncset.done $0x0  }
0xbb: {  	[sflag:s9] =	ssyncadd.s32 $0xFFFFC000  }
0xbc: {  	[tilespmem:s2], [sflag:$0x1] =	stream.linear.gather [hbm4b:s18+s2], $0x4000, $0x38;
	[tilespmem:$0x8080] =	vst v63  }
0xbd: {  	_ =	swait.ge [sflag:s7], $0x4000  }
0xbe: {  	[sflag:s7] =	ssyncset.done $0x0  }
0xbf: {  	[sflag:s7] =	ssyncadd.s32 $0xFFFFC000  }
0xc0: {  	[tilespmem:s11], [sflag:$0x2] =	stream.linear.gather [hbm4b:s17+s2], $0x4000, $0x38;
	[tilespmem:$0x8080] =	vst v63  }
0xc1: {  	_ =	swait.ge [sflag:s9], $0x4000  }
0xc2: {  	[sflag:s9] =	ssyncset.done $0x0  }
0xc3: {  	[sflag:s9] =	ssyncadd.s32 $0xFFFFC000  }
0xc4: {  	[tilespmem:s2], [sflag:$0x1] =	stream.linear.gather [hbm4b:s16+s2], $0x4000, $0x38;
	[tilespmem:$0x8080] =	vst v63  }
0xc5: {  	_ =	swait.ge [sflag:s7], $0x4000  }
0xc6: {  	[sflag:s7] =	ssyncset.done $0x0  }
0xc7: {  	[sflag:s7] =	ssyncadd.s32 $0xFFFFC000  }
0xc8: {  	[tilespmem:s11], [sflag:$0x2] =	stream.linear.gather [hbm4b:s15+s2], $0x4000, $0x38;
	[tilespmem:$0x8080] =	vst v63  }
0xc9: {  	_ =	swait.ge [sflag:s9], $0x4000  }
0xca: {  	[sflag:s9] =	ssyncset.done $0x0  }
0xcb: {  	[sflag:s9] =	ssyncadd.s32 $0xFFFFC000  }
0xcc: {  	[tilespmem:s2], [sflag:$0x1] =	stream.linear.gather [hbm4b:s14+s2], $0x4000, $0x38;
	[tilespmem:$0x8080] =	vst v63  }
0xcd: {  	_ =	swait.ge [sflag:s7], $0x4000  }
0xce: {  	[sflag:s7] =	ssyncset.done $0x0  }
0xcf: {  	[sflag:s7] =	ssyncadd.s32 $0xFFFFC000  }
0xd0: {  	[tilespmem:s11], [sflag:$0x2] =	stream.linear.gather [hbm4b:s13+s2], $0x4000, $0x38;
	[tilespmem:$0x8080] =	vst v63  }
0xd1: {  	_ =	swait.ge [sflag:s9], $0x4000  }
0xd2: {  	[sflag:s9] =	ssyncset.done $0x0  }
0xd3: {  	[sflag:s9] =	ssyncadd.s32 $0xFFFFC000  }
0xd4: {  	[tilespmem:s2], [sflag:$0x1] =	stream.linear.gather [hbm4b:s12+s2], $0x4000, $0x38;
	[tilespmem:$0x8080] =	vst v63  }
0xd5: {  	_ =	swait.ge [sflag:s7], $0x4000  }
0xd6: {  	[sflag:s7] =	ssyncset.done $0x0  }
0xd7: {  	[sflag:s7] =	ssyncadd.s32 $0xFFFFC000  }
0xd8: {  	[tilespmem:s11], [sflag:$0x2] =	stream.linear.gather [hbm4b:s10+s2], $0x4000, $0x38;
	[tilespmem:$0x8080] =	vst v63  }
0xd9: {  	_ =	swait.ge [sflag:s9], $0x4000  }
0xda: {  	[sflag:s9] =	ssyncset.done $0x0  }
0xdb: {  	[sflag:s9] =	ssyncadd.s32 $0xFFFFC000  }
0xdc: {  	[tilespmem:s2], [sflag:$0x1] =	stream.linear.gather [hbm4b:s8+s2], $0x4000, $0x38;
	[tilespmem:$0x8080] =	vst v63  }
0xdd: {  	_ =	swait.ge [sflag:s7], $0x4000  }
0xde: {  	[sflag:s7] =	ssyncset.done $0x0  }
0xdf: {  	[sflag:s7] =	ssyncadd.s32 $0xFFFFC000  }
0xe0: {  	[tilespmem:s11], [sflag:$0x2] =	stream.linear.gather [hbm4b:s5+s2], $0x4000, $0x38;
	[tilespmem:$0x8080] =	vst v63  }
0xe1: {  	_ =	swait.ge [sflag:s9], $0x4000  }
0xe2: {  	[sflag:s9] =	ssyncset.done $0x0  }
0xe3: {  	[sflag:s9] =	ssyncadd.s32 $0xFFFFC000  }
0xe4: {  	_ =	swait.ge [sflag:s7], $0x4000  }
0xe5: {  	[sflag:s7] =	ssyncset.done $0x0  }
0xe6: {  	[sflag:s7] =	ssyncadd.s32 $0xFFFFC000  }
0xe7: {  	v0 =	vld [tilespmem:$0x0];
	_ =	sdelay $0x1  }
0xe8: {  	s1 =	rddreg [dreg:$0x1c]  }
0xe9: {  	p1 =	sne.s32 s1, $0x1  }
.Ltmp1:
0xea: {  	_ = 	snop;
	(pc) =	sbr.rel @!p1 .LBB2_3-.Ltmp1, $4  }
0xeb: {  	[tilespmem:$0x8000] =	vst v0  }
0xec: {  	[hbm4b:s3+s2] =	stream.linear.scatter [tilespmem:s6], [sflag:$0x3], $0x10, $0x38;
	[tilespmem:$0x8080] =	vst v63  }
0xed: {  	p0 =	por $0x1, $0x1;
	_ =	swait.ge [sflag:s4], $0x10  }
0xee: {  	s1 =	sadd.s32 $0xFFFFFFFF, s1;
	s0 =	rddreg [dreg:$0x2];
	[sflag:s4] =	ssyncset.done $0x0  }
.LBB2_2:
0xef: {  	[sflag:s4] =	ssyncadd.s32 $0xFFFFFFF0  }
0xf0: {  	[tilespmem:s2], [sflag:$0x1] =	stream.linear.gather [hbm4b:s0+s2], $0x4000, $0x38;
	[tilespmem:$0x8080] =	vst v63  }
0xf1: {  	s6 =	rddreg [dreg:$0x3]  }
0xf2: {  	[tilespmem:s11], [sflag:$0x2] =	stream.linear.gather [hbm4b:s6+s2], $0x4000, $0x38;
	[tilespmem:$0x8080] =	vst v63  }
0xf3: {  	_ =	swait.ge [sflag:s9], $0x4000  }
0xf4: {  	[sflag:s9] =	ssyncset.done $0x0  }
0xf5: {  	s0 =	rddreg [dreg:$0x4];
	[sflag:s9] =	ssyncadd.s32 $0xFFFFC000  }
0xf6: {  	[tilespmem:s2], [sflag:$0x1] =	stream.linear.gather [hbm4b:s0+s2], $0x4000, $0x38;
	[tilespmem:$0x8080] =	vst v63  }
0xf7: {  	_ =	swait.ge [sflag:s7], $0x4000  }
0xf8: {  	[sflag:s7] =	ssyncset.done $0x0  }
0xf9: {  	s0 =	rddreg [dreg:$0x5];
	[sflag:s7] =	ssyncadd.s32 $0xFFFFC000  }
0xfa: {  	[tilespmem:s11], [sflag:$0x2] =	stream.linear.gather [hbm4b:s0+s2], $0x4000, $0x38;
	[tilespmem:$0x8080] =	vst v63  }
0xfb: {  	_ =	swait.ge [sflag:s9], $0x4000  }
0xfc: {  	[sflag:s9] =	ssyncset.done $0x0  }
0xfd: {  	s0 =	rddreg [dreg:$0x6];
	[sflag:s9] =	ssyncadd.s32 $0xFFFFC000  }
0xfe: {  	[tilespmem:s2], [sflag:$0x1] =	stream.linear.gather [hbm4b:s0+s2], $0x4000, $0x38;
	[tilespmem:$0x8080] =	vst v63  }
0xff: {  	_ =	swait.ge [sflag:s7], $0x4000  }
0x100: {  	[sflag:s7] =	ssyncset.done $0x0  }
0x101: {  	s0 =	rddreg [dreg:$0x7];
	[sflag:s7] =	ssyncadd.s32 $0xFFFFC000  }
0x102: {  	[tilespmem:s11], [sflag:$0x2] =	stream.linear.gather [hbm4b:s0+s2], $0x4000, $0x38;
	[tilespmem:$0x8080] =	vst v63  }
0x103: {  	_ =	swait.ge [sflag:s9], $0x4000  }
0x104: {  	[sflag:s9] =	ssyncset.done $0x0  }
0x105: {  	s0 =	rddreg [dreg:$0x8];
	[sflag:s9] =	ssyncadd.s32 $0xFFFFC000  }
0x106: {  	[tilespmem:s2], [sflag:$0x1] =	stream.linear.gather [hbm4b:s0+s2], $0x4000, $0x38;
	[tilespmem:$0x8080] =	vst v63  }
0x107: {  	_ =	swait.ge [sflag:s7], $0x4000  }
0x108: {  	[sflag:s7] =	ssyncset.done $0x0  }
0x109: {  	s0 =	rddreg [dreg:$0x9];
	[sflag:s7] =	ssyncadd.s32 $0xFFFFC000  }
0x10a: {  	[tilespmem:s11], [sflag:$0x2] =	stream.linear.gather [hbm4b:s0+s2], $0x4000, $0x38;
	[tilespmem:$0x8080] =	vst v63  }
0x10b: {  	_ =	swait.ge [sflag:s9], $0x4000  }
0x10c: {  	[sflag:s9] =	ssyncset.done $0x0  }
0x10d: {  	s0 =	rddreg [dreg:$0xa];
	[sflag:s9] =	ssyncadd.s32 $0xFFFFC000  }
0x10e: {  	[tilespmem:s2], [sflag:$0x1] =	stream.linear.gather [hbm4b:s0+s2], $0x4000, $0x38;
	[tilespmem:$0x8080] =	vst v63  }
0x10f: {  	_ =	swait.ge [sflag:s7], $0x4000  }
0x110: {  	[sflag:s7] =	ssyncset.done $0x0  }
0x111: {  	s0 =	rddreg [dreg:$0xb];
	[sflag:s7] =	ssyncadd.s32 $0xFFFFC000  }
0x112: {  	[tilespmem:s11], [sflag:$0x2] =	stream.linear.gather [hbm4b:s0+s2], $0x4000, $0x38;
	[tilespmem:$0x8080] =	vst v63  }
0x113: {  	_ =	swait.ge [sflag:s9], $0x4000  }
0x114: {  	[sflag:s9] =	ssyncset.done $0x0  }
0x115: {  	s0 =	rddreg [dreg:$0xc];
	[sflag:s9] =	ssyncadd.s32 $0xFFFFC000  }
0x116: {  	[tilespmem:s2], [sflag:$0x1] =	stream.linear.gather [hbm4b:s0+s2], $0x4000, $0x38;
	[tilespmem:$0x8080] =	vst v63  }
0x117: {  	_ =	swait.ge [sflag:s7], $0x4000  }
0x118: {  	[sflag:s7] =	ssyncset.done $0x0  }
0x119: {  	s0 =	rddreg [dreg:$0xd];
	[sflag:s7] =	ssyncadd.s32 $0xFFFFC000  }
0x11a: {  	[tilespmem:s11], [sflag:$0x2] =	stream.linear.gather [hbm4b:s0+s2], $0x4000, $0x38;
	[tilespmem:$0x8080] =	vst v63  }
0x11b: {  	_ =	swait.ge [sflag:s9], $0x4000  }
0x11c: {  	[sflag:s9] =	ssyncset.done $0x0  }
0x11d: {  	s0 =	rddreg [dreg:$0xe];
	[sflag:s9] =	ssyncadd.s32 $0xFFFFC000  }
0x11e: {  	[tilespmem:s2], [sflag:$0x1] =	stream.linear.gather [hbm4b:s0+s2], $0x4000, $0x38;
	[tilespmem:$0x8080] =	vst v63  }
0x11f: {  	_ =	swait.ge [sflag:s7], $0x4000  }
0x120: {  	[sflag:s7] =	ssyncset.done $0x0  }
0x121: {  	s0 =	rddreg [dreg:$0xf];
	[sflag:s7] =	ssyncadd.s32 $0xFFFFC000  }
0x122: {  	[tilespmem:s11], [sflag:$0x2] =	stream.linear.gather [hbm4b:s0+s2], $0x4000, $0x38;
	[tilespmem:$0x8080] =	vst v63  }
0x123: {  	_ =	swait.ge [sflag:s9], $0x4000  }
0x124: {  	[sflag:s9] =	ssyncset.done $0x0  }
0x125: {  	s0 =	rddreg [dreg:$0x10];
	[sflag:s9] =	ssyncadd.s32 $0xFFFFC000  }
0x126: {  	[tilespmem:s2], [sflag:$0x1] =	stream.linear.gather [hbm4b:s0+s2], $0x4000, $0x38;
	[tilespmem:$0x8080] =	vst v63  }
0x127: {  	_ =	swait.ge [sflag:s7], $0x4000  }
0x128: {  	[sflag:s7] =	ssyncset.done $0x0  }
0x129: {  	s0 =	rddreg [dreg:$0x11];
	[sflag:s7] =	ssyncadd.s32 $0xFFFFC000  }
0x12a: {  	[tilespmem:s11], [sflag:$0x2] =	stream.linear.gather [hbm4b:s0+s2], $0x4000, $0x38;
	[tilespmem:$0x8080] =	vst v63  }
0x12b: {  	_ =	swait.ge [sflag:s9], $0x4000  }
0x12c: {  	[sflag:s9] =	ssyncset.done $0x0  }
0x12d: {  	s0 =	rddreg [dreg:$0x12];
	[sflag:s9] =	ssyncadd.s32 $0xFFFFC000  }
0x12e: {  	[tilespmem:s2], [sflag:$0x1] =	stream.linear.gather [hbm4b:s0+s2], $0x4000, $0x38;
	[tilespmem:$0x8080] =	vst v63  }
0x12f: {  	_ =	swait.ge [sflag:s7], $0x4000  }
0x130: {  	[sflag:s7] =	ssyncset.done $0x0  }
0x131: {  	s0 =	rddreg [dreg:$0x13];
	[sflag:s7] =	ssyncadd.s32 $0xFFFFC000  }
0x132: {  	[tilespmem:s11], [sflag:$0x2] =	stream.linear.gather [hbm4b:s0+s2], $0x4000, $0x38;
	[tilespmem:$0x8080] =	vst v63  }
0x133: {  	_ =	swait.ge [sflag:s9], $0x4000  }
0x134: {  	[sflag:s9] =	ssyncset.done $0x0  }
0x135: {  	s0 =	rddreg [dreg:$0x14];
	[sflag:s9] =	ssyncadd.s32 $0xFFFFC000  }
0x136: {  	[tilespmem:s2], [sflag:$0x1] =	stream.linear.gather [hbm4b:s0+s2], $0x4000, $0x38;
	[tilespmem:$0x8080] =	vst v63  }
0x137: {  	_ =	swait.ge [sflag:s7], $0x4000  }
0x138: {  	[sflag:s7] =	ssyncset.done $0x0  }
0x139: {  	s0 =	rddreg [dreg:$0x15];
	[sflag:s7] =	ssyncadd.s32 $0xFFFFC000  }
0x13a: {  	[tilespmem:s11], [sflag:$0x2] =	stream.linear.gather [hbm4b:s0+s2], $0x4000, $0x38;
	[tilespmem:$0x8080] =	vst v63  }
0x13b: {  	_ =	swait.ge [sflag:s9], $0x4000  }
0x13c: {  	[sflag:s9] =	ssyncset.done $0x0  }
0x13d: {  	s0 =	rddreg [dreg:$0x16];
	[sflag:s9] =	ssyncadd.s32 $0xFFFFC000  }
0x13e: {  	[tilespmem:s2], [sflag:$0x1] =	stream.linear.gather [hbm4b:s0+s2], $0x4000, $0x38;
	[tilespmem:$0x8080] =	vst v63  }
0x13f: {  	_ =	swait.ge [sflag:s7], $0x4000  }
0x140: {  	[sflag:s7] =	ssyncset.done $0x0  }
0x141: {  	s0 =	rddreg [dreg:$0x17];
	[sflag:s7] =	ssyncadd.s32 $0xFFFFC000  }
0x142: {  	[tilespmem:s11], [sflag:$0x2] =	stream.linear.gather [hbm4b:s0+s2], $0x4000, $0x38;
	[tilespmem:$0x8080] =	vst v63  }
0x143: {  	_ =	swait.ge [sflag:s9], $0x4000  }
0x144: {  	[sflag:s9] =	ssyncset.done $0x0  }
0x145: {  	s0 =	rddreg [dreg:$0x18];
	[sflag:s9] =	ssyncadd.s32 $0xFFFFC000  }
0x146: {  	[tilespmem:s2], [sflag:$0x1] =	stream.linear.gather [hbm4b:s0+s2], $0x4000, $0x38;
	[tilespmem:$0x8080] =	vst v63  }
0x147: {  	_ =	swait.ge [sflag:s7], $0x4000  }
0x148: {  	[sflag:s7] =	ssyncset.done $0x0  }
0x149: {  	s0 =	rddreg [dreg:$0x19];
	[sflag:s7] =	ssyncadd.s32 $0xFFFFC000  }
0x14a: {  	[tilespmem:s11], [sflag:$0x2] =	stream.linear.gather [hbm4b:s0+s2], $0x4000, $0x38;
	[tilespmem:$0x8080] =	vst v63  }
0x14b: {  	_ =	swait.ge [sflag:s9], $0x4000  }
0x14c: {  	[sflag:s9] =	ssyncset.done $0x0  }
0x14d: {  	s0 =	rddreg [dreg:$0x1a];
	[sflag:s9] =	ssyncadd.s32 $0xFFFFC000  }
0x14e: {  	[tilespmem:s2], [sflag:$0x1] =	stream.linear.gather [hbm4b:s0+s2], $0x4000, $0x38;
	[tilespmem:$0x8080] =	vst v63  }
0x14f: {  	_ =	swait.ge [sflag:s7], $0x4000  }
0x150: {  	[sflag:s7] =	ssyncset.done $0x0  }
0x151: {  	s0 =	rddreg [dreg:$0x1b];
	[sflag:s7] =	ssyncadd.s32 $0xFFFFC000  }
0x152: {  	[tilespmem:s11], [sflag:$0x2] =	stream.linear.gather [hbm4b:s0+s2], $0x4000, $0x38;
	[tilespmem:$0x8080] =	vst v63  }
0x153: {  	_ =	swait.ge [sflag:s9], $0x4000  }
0x154: {  	[sflag:s9] =	ssyncset.done $0x0  }
0x155: {  	[sflag:s9] =	ssyncadd.s32 $0xFFFFC000  }
0x156: {  	[tilespmem:s2], [sflag:$0x1] =	stream.linear.gather [hbm4b:s31+s2], $0x4000, $0x38;
	[tilespmem:$0x8080] =	vst v63  }
0x157: {  	_ =	swait.ge [sflag:s7], $0x4000  }
0x158: {  	[sflag:s7] =	ssyncset.done $0x0  }
0x159: {  	[sflag:s7] =	ssyncadd.s32 $0xFFFFC000  }
0x15a: {  	[tilespmem:s11], [sflag:$0x2] =	stream.linear.gather [hbm4b:s30+s2], $0x4000, $0x38;
	[tilespmem:$0x8080] =	vst v63  }
0x15b: {  	_ =	swait.ge [sflag:s9], $0x4000  }
0x15c: {  	[sflag:s9] =	ssyncset.done $0x0  }
0x15d: {  	[sflag:s9] =	ssyncadd.s32 $0xFFFFC000  }
0x15e: {  	[tilespmem:s2], [sflag:$0x1] =	stream.linear.gather [hbm4b:s29+s2], $0x4000, $0x38;
	[tilespmem:$0x8080] =	vst v63  }
0x15f: {  	_ =	swait.ge [sflag:s7], $0x4000  }
0x160: {  	[sflag:s7] =	ssyncset.done $0x0  }
0x161: {  	[sflag:s7] =	ssyncadd.s32 $0xFFFFC000  }
0x162: {  	[tilespmem:s11], [sflag:$0x2] =	stream.linear.gather [hbm4b:s28+s2], $0x4000, $0x38;
	[tilespmem:$0x8080] =	vst v63  }
0x163: {  	_ =	swait.ge [sflag:s9], $0x4000  }
0x164: {  	[sflag:s9] =	ssyncset.done $0x0  }
0x165: {  	[sflag:s9] =	ssyncadd.s32 $0xFFFFC000  }
0x166: {  	[tilespmem:s2], [sflag:$0x1] =	stream.linear.gather [hbm4b:s26+s2], $0x4000, $0x38;
	[tilespmem:$0x8080] =	vst v63  }
0x167: {  	_ =	swait.ge [sflag:s7], $0x4000  }
0x168: {  	[sflag:s7] =	ssyncset.done $0x0  }
0x169: {  	[sflag:s7] =	ssyncadd.s32 $0xFFFFC000  }
0x16a: {  	[tilespmem:s11], [sflag:$0x2] =	stream.linear.gather [hbm4b:s25+s2], $0x4000, $0x38;
	[tilespmem:$0x8080] =	vst v63  }
0x16b: {  	_ =	swait.ge [sflag:s9], $0x4000  }
0x16c: {  	[sflag:s9] =	ssyncset.done $0x0  }
0x16d: {  	[sflag:s9] =	ssyncadd.s32 $0xFFFFC000  }
0x16e: {  	[tilespmem:s2], [sflag:$0x1] =	stream.linear.gather [hbm4b:s24+s2], $0x4000, $0x38;
	[tilespmem:$0x8080] =	vst v63  }
0x16f: {  	_ =	swait.ge [sflag:s7], $0x4000  }
0x170: {  	[sflag:s7] =	ssyncset.done $0x0  }
0x171: {  	[sflag:s7] =	ssyncadd.s32 $0xFFFFC000  }
0x172: {  	[tilespmem:s11], [sflag:$0x2] =	stream.linear.gather [hbm4b:s23+s2], $0x4000, $0x38;
	[tilespmem:$0x8080] =	vst v63  }
0x173: {  	_ =	swait.ge [sflag:s9], $0x4000  }
0x174: {  	[sflag:s9] =	ssyncset.done $0x0  }
0x175: {  	[sflag:s9] =	ssyncadd.s32 $0xFFFFC000  }
0x176: {  	[tilespmem:s2], [sflag:$0x1] =	stream.linear.gather [hbm4b:s22+s2], $0x4000, $0x38;
	[tilespmem:$0x8080] =	vst v63  }
0x177: {  	_ =	swait.ge [sflag:s7], $0x4000  }
0x178: {  	[sflag:s7] =	ssyncset.done $0x0  }
0x179: {  	[sflag:s7] =	ssyncadd.s32 $0xFFFFC000  }
0x17a: {  	[tilespmem:s11], [sflag:$0x2] =	stream.linear.gather [hbm4b:s21+s2], $0x4000, $0x38;
	[tilespmem:$0x8080] =	vst v63  }
0x17b: {  	_ =	swait.ge [sflag:s9], $0x4000  }
0x17c: {  	[sflag:s9] =	ssyncset.done $0x0  }
0x17d: {  	[sflag:s9] =	ssyncadd.s32 $0xFFFFC000  }
0x17e: {  	[tilespmem:s2], [sflag:$0x1] =	stream.linear.gather [hbm4b:s20+s2], $0x4000, $0x38;
	[tilespmem:$0x8080] =	vst v63  }
0x17f: {  	_ =	swait.ge [sflag:s7], $0x4000  }
0x180: {  	[sflag:s7] =	ssyncset.done $0x0  }
0x181: {  	[sflag:s7] =	ssyncadd.s32 $0xFFFFC000  }
0x182: {  	[tilespmem:s11], [sflag:$0x2] =	stream.linear.gather [hbm4b:s19+s2], $0x4000, $0x38;
	[tilespmem:$0x8080] =	vst v63  }
0x183: {  	_ =	swait.ge [sflag:s9], $0x4000  }
0x184: {  	[sflag:s9] =	ssyncset.done $0x0  }
0x185: {  	[sflag:s9] =	ssyncadd.s32 $0xFFFFC000  }
0x186: {  	[tilespmem:s2], [sflag:$0x1] =	stream.linear.gather [hbm4b:s18+s2], $0x4000, $0x38;
	[tilespmem:$0x8080] =	vst v63  }
0x187: {  	_ =	swait.ge [sflag:s7], $0x4000  }
0x188: {  	[sflag:s7] =	ssyncset.done $0x0  }
0x189: {  	[sflag:s7] =	ssyncadd.s32 $0xFFFFC000  }
0x18a: {  	[tilespmem:s11], [sflag:$0x2] =	stream.linear.gather [hbm4b:s17+s2], $0x4000, $0x38;
	[tilespmem:$0x8080] =	vst v63  }
0x18b: {  	_ =	swait.ge [sflag:s9], $0x4000  }
0x18c: {  	[sflag:s9] =	ssyncset.done $0x0  }
0x18d: {  	[sflag:s9] =	ssyncadd.s32 $0xFFFFC000  }
0x18e: {  	[tilespmem:s2], [sflag:$0x1] =	stream.linear.gather [hbm4b:s16+s2], $0x4000, $0x38;
	[tilespmem:$0x8080] =	vst v63  }
0x18f: {  	_ =	swait.ge [sflag:s7], $0x4000  }
0x190: {  	[sflag:s7] =	ssyncset.done $0x0  }
0x191: {  	[sflag:s7] =	ssyncadd.s32 $0xFFFFC000  }
0x192: {  	[tilespmem:s11], [sflag:$0x2] =	stream.linear.gather [hbm4b:s15+s2], $0x4000, $0x38;
	[tilespmem:$0x8080] =	vst v63  }
0x193: {  	_ =	swait.ge [sflag:s9], $0x4000  }
0x194: {  	[sflag:s9] =	ssyncset.done $0x0  }
0x195: {  	[sflag:s9] =	ssyncadd.s32 $0xFFFFC000  }
0x196: {  	[tilespmem:s2], [sflag:$0x1] =	stream.linear.gather [hbm4b:s14+s2], $0x4000, $0x38;
	[tilespmem:$0x8080] =	vst v63  }
0x197: {  	_ =	swait.ge [sflag:s7], $0x4000  }
0x198: {  	[sflag:s7] =	ssyncset.done $0x0  }
0x199: {  	[sflag:s7] =	ssyncadd.s32 $0xFFFFC000  }
0x19a: {  	[tilespmem:s11], [sflag:$0x2] =	stream.linear.gather [hbm4b:s13+s2], $0x4000, $0x38;
	[tilespmem:$0x8080] =	vst v63  }
0x19b: {  	_ =	swait.ge [sflag:s9], $0x4000  }
0x19c: {  	[sflag:s9] =	ssyncset.done $0x0  }
0x19d: {  	[sflag:s9] =	ssyncadd.s32 $0xFFFFC000  }
0x19e: {  	[tilespmem:s2], [sflag:$0x1] =	stream.linear.gather [hbm4b:s12+s2], $0x4000, $0x38;
	[tilespmem:$0x8080] =	vst v63  }
0x19f: {  	_ =	swait.ge [sflag:s7], $0x4000  }
0x1a0: {  	[sflag:s7] =	ssyncset.done $0x0  }
0x1a1: {  	[sflag:s7] =	ssyncadd.s32 $0xFFFFC000  }
0x1a2: {  	[tilespmem:s11], [sflag:$0x2] =	stream.linear.gather [hbm4b:s10+s2], $0x4000, $0x38;
	[tilespmem:$0x8080] =	vst v63  }
0x1a3: {  	_ =	swait.ge [sflag:s9], $0x4000  }
0x1a4: {  	[sflag:s9] =	ssyncset.done $0x0  }
0x1a5: {  	[sflag:s9] =	ssyncadd.s32 $0xFFFFC000  }
0x1a6: {  	[tilespmem:s2], [sflag:$0x1] =	stream.linear.gather [hbm4b:s8+s2], $0x4000, $0x38;
	[tilespmem:$0x8080] =	vst v63  }
0x1a7: {  	_ =	swait.ge [sflag:s7], $0x4000  }
0x1a8: {  	[sflag:s7] =	ssyncset.done $0x0  }
0x1a9: {  	[sflag:s7] =	ssyncadd.s32 $0xFFFFC000  }
0x1aa: {  	[tilespmem:s11], [sflag:$0x2] =	stream.linear.gather [hbm4b:s5+s2], $0x4000, $0x38;
	[tilespmem:$0x8080] =	vst v63  }
0x1ab: {  	_ =	swait.ge [sflag:s9], $0x4000  }
0x1ac: {  	[sflag:s9] =	ssyncset.done $0x0  }
0x1ad: {  	[sflag:s9] =	ssyncadd.s32 $0xFFFFC000  }
0x1ae: {  	_ =	swait.ge [sflag:s7], $0x4000  }
0x1af: {  	[sflag:s7] =	ssyncset.done $0x0  }
0x1b0: {  	[sflag:s7] =	ssyncadd.s32 $0xFFFFC000  }
0x1b1: {  	v0 =	vld [tilespmem:$0x0];
	_ =	sdelay $0x2  }
0x1b2: {  	p1 =	sne.s32 s1, $0x1  }
.Ltmp2:
0x1b3: {  	_ = 	snop;
	(pc) =	sbr.rel @p1 .LBB2_2-.Ltmp2, $4  }
0x1b4: {  	s6 =	simm.s32 $0x8000;
	[tilespmem:$0x8000] =	vst v0  }
0x1b5: {  	[hbm4b:s3+s2] =	stream.linear.scatter [tilespmem:s6], [sflag:$0x3], $0x10, $0x38;
	[tilespmem:$0x8080] =	vst v63  }
0x1b6: {  	_ =	swait.ge [sflag:s4], $0x10  }
0x1b7: {  	s1 =	sadd.s32 $0xFFFFFFFF, s1;
	s0 =	rddreg [dreg:$0x2];
	[sflag:s4] =	ssyncset.done $0x0  }
.LBB2_3:
0x1b8: {  	[sflag:s4] =	ssyncadd.s32 @p0 $0xFFFFFFF0  }
0x1b9: {  	[tilespmem:s2], [sflag:$0x1] =	stream.linear.gather [hbm4b:s0+s2], $0x4000, $0x38;
	[tilespmem:$0x8080] =	vst v63  }
0x1ba: {  	s1 =	rddreg [dreg:$0x3]  }
0x1bb: {  	[tilespmem:s11], [sflag:$0x2] =	stream.linear.gather [hbm4b:s1+s2], $0x4000, $0x38;
	[tilespmem:$0x8080] =	vst v63  }
0x1bc: {  	_ =	swait.ge [sflag:s9], $0x4000  }
0x1bd: {  	[sflag:s9] =	ssyncset.done $0x0  }
0x1be: {  	s1 =	rddreg [dreg:$0x4];
	[sflag:s9] =	ssyncadd.s32 $0xFFFFC000  }
0x1bf: {  	[tilespmem:s2], [sflag:$0x1] =	stream.linear.gather [hbm4b:s1+s2], $0x4000, $0x38;
	[tilespmem:$0x8080] =	vst v63  }
0x1c0: {  	_ =	swait.ge [sflag:s7], $0x4000  }
0x1c1: {  	[sflag:s7] =	ssyncset.done $0x0  }
0x1c2: {  	s1 =	rddreg [dreg:$0x5];
	[sflag:s7] =	ssyncadd.s32 $0xFFFFC000  }
0x1c3: {  	[tilespmem:s11], [sflag:$0x2] =	stream.linear.gather [hbm4b:s1+s2], $0x4000, $0x38;
	[tilespmem:$0x8080] =	vst v63  }
0x1c4: {  	_ =	swait.ge [sflag:s9], $0x4000  }
0x1c5: {  	[sflag:s9] =	ssyncset.done $0x0  }
0x1c6: {  	s1 =	rddreg [dreg:$0x6];
	[sflag:s9] =	ssyncadd.s32 $0xFFFFC000  }
0x1c7: {  	[tilespmem:s2], [sflag:$0x1] =	stream.linear.gather [hbm4b:s1+s2], $0x4000, $0x38;
	[tilespmem:$0x8080] =	vst v63  }
0x1c8: {  	_ =	swait.ge [sflag:s7], $0x4000  }
0x1c9: {  	[sflag:s7] =	ssyncset.done $0x0  }
0x1ca: {  	s1 =	rddreg [dreg:$0x7];
	[sflag:s7] =	ssyncadd.s32 $0xFFFFC000  }
0x1cb: {  	[tilespmem:s11], [sflag:$0x2] =	stream.linear.gather [hbm4b:s1+s2], $0x4000, $0x38;
	[tilespmem:$0x8080] =	vst v63  }
0x1cc: {  	_ =	swait.ge [sflag:s9], $0x4000  }
0x1cd: {  	[sflag:s9] =	ssyncset.done $0x0  }
0x1ce: {  	s1 =	rddreg [dreg:$0x8];
	[sflag:s9] =	ssyncadd.s32 $0xFFFFC000  }
0x1cf: {  	[tilespmem:s2], [sflag:$0x1] =	stream.linear.gather [hbm4b:s1+s2], $0x4000, $0x38;
	[tilespmem:$0x8080] =	vst v63  }
0x1d0: {  	_ =	swait.ge [sflag:s7], $0x4000  }
0x1d1: {  	[sflag:s7] =	ssyncset.done $0x0  }
0x1d2: {  	s1 =	rddreg [dreg:$0x9];
	[sflag:s7] =	ssyncadd.s32 $0xFFFFC000  }
0x1d3: {  	[tilespmem:s11], [sflag:$0x2] =	stream.linear.gather [hbm4b:s1+s2], $0x4000, $0x38;
	[tilespmem:$0x8080] =	vst v63  }
0x1d4: {  	_ =	swait.ge [sflag:s9], $0x4000  }
0x1d5: {  	[sflag:s9] =	ssyncset.done $0x0  }
0x1d6: {  	s1 =	rddreg [dreg:$0xa];
	[sflag:s9] =	ssyncadd.s32 $0xFFFFC000  }
0x1d7: {  	[tilespmem:s2], [sflag:$0x1] =	stream.linear.gather [hbm4b:s1+s2], $0x4000, $0x38;
	[tilespmem:$0x8080] =	vst v63  }
0x1d8: {  	_ =	swait.ge [sflag:s7], $0x4000  }
0x1d9: {  	[sflag:s7] =	ssyncset.done $0x0  }
0x1da: {  	s1 =	rddreg [dreg:$0xb];
	[sflag:s7] =	ssyncadd.s32 $0xFFFFC000  }
0x1db: {  	[tilespmem:s11], [sflag:$0x2] =	stream.linear.gather [hbm4b:s1+s2], $0x4000, $0x38;
	[tilespmem:$0x8080] =	vst v63  }
0x1dc: {  	_ =	swait.ge [sflag:s9], $0x4000  }
0x1dd: {  	[sflag:s9] =	ssyncset.done $0x0  }
0x1de: {  	s1 =	rddreg [dreg:$0xc];
	[sflag:s9] =	ssyncadd.s32 $0xFFFFC000  }
0x1df: {  	[tilespmem:s2], [sflag:$0x1] =	stream.linear.gather [hbm4b:s1+s2], $0x4000, $0x38;
	[tilespmem:$0x8080] =	vst v63  }
0x1e0: {  	_ =	swait.ge [sflag:s7], $0x4000  }
0x1e1: {  	[sflag:s7] =	ssyncset.done $0x0  }
0x1e2: {  	s1 =	rddreg [dreg:$0xd];
	[sflag:s7] =	ssyncadd.s32 $0xFFFFC000  }
0x1e3: {  	[tilespmem:s11], [sflag:$0x2] =	stream.linear.gather [hbm4b:s1+s2], $0x4000, $0x38;
	[tilespmem:$0x8080] =	vst v63  }
0x1e4: {  	_ =	swait.ge [sflag:s9], $0x4000  }
0x1e5: {  	[sflag:s9] =	ssyncset.done $0x0  }
0x1e6: {  	s1 =	rddreg [dreg:$0xe];
	[sflag:s9] =	ssyncadd.s32 $0xFFFFC000  }
0x1e7: {  	[tilespmem:s2], [sflag:$0x1] =	stream.linear.gather [hbm4b:s1+s2], $0x4000, $0x38;
	[tilespmem:$0x8080] =	vst v63  }
0x1e8: {  	_ =	swait.ge [sflag:s7], $0x4000  }
0x1e9: {  	[sflag:s7] =	ssyncset.done $0x0  }
0x1ea: {  	s1 =	rddreg [dreg:$0xf];
	[sflag:s7] =	ssyncadd.s32 $0xFFFFC000  }
0x1eb: {  	[tilespmem:s11], [sflag:$0x2] =	stream.linear.gather [hbm4b:s1+s2], $0x4000, $0x38;
	[tilespmem:$0x8080] =	vst v63  }
0x1ec: {  	_ =	swait.ge [sflag:s9], $0x4000  }
0x1ed: {  	[sflag:s9] =	ssyncset.done $0x0  }
0x1ee: {  	s1 =	rddreg [dreg:$0x10];
	[sflag:s9] =	ssyncadd.s32 $0xFFFFC000  }
0x1ef: {  	[tilespmem:s2], [sflag:$0x1] =	stream.linear.gather [hbm4b:s1+s2], $0x4000, $0x38;
	[tilespmem:$0x8080] =	vst v63  }
0x1f0: {  	_ =	swait.ge [sflag:s7], $0x4000  }
0x1f1: {  	[sflag:s7] =	ssyncset.done $0x0  }
0x1f2: {  	s1 =	rddreg [dreg:$0x11];
	[sflag:s7] =	ssyncadd.s32 $0xFFFFC000  }
0x1f3: {  	[tilespmem:s11], [sflag:$0x2] =	stream.linear.gather [hbm4b:s1+s2], $0x4000, $0x38;
	[tilespmem:$0x8080] =	vst v63  }
0x1f4: {  	_ =	swait.ge [sflag:s9], $0x4000  }
0x1f5: {  	[sflag:s9] =	ssyncset.done $0x0  }
0x1f6: {  	s1 =	rddreg [dreg:$0x12];
	[sflag:s9] =	ssyncadd.s32 $0xFFFFC000  }
0x1f7: {  	[tilespmem:s2], [sflag:$0x1] =	stream.linear.gather [hbm4b:s1+s2], $0x4000, $0x38;
	[tilespmem:$0x8080] =	vst v63  }
0x1f8: {  	_ =	swait.ge [sflag:s7], $0x4000  }
0x1f9: {  	[sflag:s7] =	ssyncset.done $0x0  }
0x1fa: {  	s1 =	rddreg [dreg:$0x13];
	[sflag:s7] =	ssyncadd.s32 $0xFFFFC000  }
0x1fb: {  	[tilespmem:s11], [sflag:$0x2] =	stream.linear.gather [hbm4b:s1+s2], $0x4000, $0x38;
	[tilespmem:$0x8080] =	vst v63  }
0x1fc: {  	_ =	swait.ge [sflag:s9], $0x4000  }
0x1fd: {  	[sflag:s9] =	ssyncset.done $0x0  }
0x1fe: {  	s1 =	rddreg [dreg:$0x14];
	[sflag:s9] =	ssyncadd.s32 $0xFFFFC000  }
0x1ff: {  	[tilespmem:s2], [sflag:$0x1] =	stream.linear.gather [hbm4b:s1+s2], $0x4000, $0x38;
	[tilespmem:$0x8080] =	vst v63  }
0x200: {  	_ =	swait.ge [sflag:s7], $0x4000  }
0x201: {  	[sflag:s7] =	ssyncset.done $0x0  }
0x202: {  	s1 =	rddreg [dreg:$0x15];
	[sflag:s7] =	ssyncadd.s32 $0xFFFFC000  }
0x203: {  	[tilespmem:s11], [sflag:$0x2] =	stream.linear.gather [hbm4b:s1+s2], $0x4000, $0x38;
	[tilespmem:$0x8080] =	vst v63  }
0x204: {  	_ =	swait.ge [sflag:s9], $0x4000  }
0x205: {  	[sflag:s9] =	ssyncset.done $0x0  }
0x206: {  	s1 =	rddreg [dreg:$0x16];
	[sflag:s9] =	ssyncadd.s32 $0xFFFFC000  }
0x207: {  	[tilespmem:s2], [sflag:$0x1] =	stream.linear.gather [hbm4b:s1+s2], $0x4000, $0x38;
	[tilespmem:$0x8080] =	vst v63  }
0x208: {  	_ =	swait.ge [sflag:s7], $0x4000  }
0x209: {  	[sflag:s7] =	ssyncset.done $0x0  }
0x20a: {  	s1 =	rddreg [dreg:$0x17];
	[sflag:s7] =	ssyncadd.s32 $0xFFFFC000  }
0x20b: {  	[tilespmem:s11], [sflag:$0x2] =	stream.linear.gather [hbm4b:s1+s2], $0x4000, $0x38;
	[tilespmem:$0x8080] =	vst v63  }
0x20c: {  	_ =	swait.ge [sflag:s9], $0x4000  }
0x20d: {  	[sflag:s9] =	ssyncset.done $0x0  }
0x20e: {  	s1 =	rddreg [dreg:$0x18];
	[sflag:s9] =	ssyncadd.s32 $0xFFFFC000  }
0x20f: {  	[tilespmem:s2], [sflag:$0x1] =	stream.linear.gather [hbm4b:s1+s2], $0x4000, $0x38;
	[tilespmem:$0x8080] =	vst v63  }
0x210: {  	_ =	swait.ge [sflag:s7], $0x4000  }
0x211: {  	[sflag:s7] =	ssyncset.done $0x0  }
0x212: {  	s1 =	rddreg [dreg:$0x19];
	[sflag:s7] =	ssyncadd.s32 $0xFFFFC000  }
0x213: {  	[tilespmem:s11], [sflag:$0x2] =	stream.linear.gather [hbm4b:s1+s2], $0x4000, $0x38;
	[tilespmem:$0x8080] =	vst v63  }
0x214: {  	_ =	swait.ge [sflag:s9], $0x4000  }
0x215: {  	[sflag:s9] =	ssyncset.done $0x0  }
0x216: {  	s1 =	rddreg [dreg:$0x1a];
	[sflag:s9] =	ssyncadd.s32 $0xFFFFC000  }
0x217: {  	[tilespmem:s2], [sflag:$0x1] =	stream.linear.gather [hbm4b:s1+s2], $0x4000, $0x38;
	[tilespmem:$0x8080] =	vst v63  }
0x218: {  	_ =	swait.ge [sflag:s7], $0x4000  }
0x219: {  	[sflag:s7] =	ssyncset.done $0x0  }
0x21a: {  	s1 =	rddreg [dreg:$0x1b];
	[sflag:s7] =	ssyncadd.s32 $0xFFFFC000  }
0x21b: {  	[tilespmem:s11], [sflag:$0x2] =	stream.linear.gather [hbm4b:s1+s2], $0x4000, $0x38;
	[tilespmem:$0x8080] =	vst v63  }
0x21c: {  	_ =	swait.ge [sflag:s9], $0x4000  }
0x21d: {  	[sflag:s9] =	ssyncset.done $0x0  }
0x21e: {  	[sflag:s9] =	ssyncadd.s32 $0xFFFFC000  }
0x21f: {  	[tilespmem:s2], [sflag:$0x1] =	stream.linear.gather [hbm4b:s31+s2], $0x4000, $0x38;
	[tilespmem:$0x8080] =	vst v63  }
0x220: {  	_ =	swait.ge [sflag:s7], $0x4000  }
0x221: {  	[sflag:s7] =	ssyncset.done $0x0  }
0x222: {  	[sflag:s7] =	ssyncadd.s32 $0xFFFFC000  }
0x223: {  	[tilespmem:s11], [sflag:$0x2] =	stream.linear.gather [hbm4b:s30+s2], $0x4000, $0x38;
	[tilespmem:$0x8080] =	vst v63  }
0x224: {  	_ =	swait.ge [sflag:s9], $0x4000  }
0x225: {  	[sflag:s9] =	ssyncset.done $0x0  }
0x226: {  	[sflag:s9] =	ssyncadd.s32 $0xFFFFC000  }
0x227: {  	[tilespmem:s2], [sflag:$0x1] =	stream.linear.gather [hbm4b:s29+s2], $0x4000, $0x38;
	[tilespmem:$0x8080] =	vst v63  }
0x228: {  	_ =	swait.ge [sflag:s7], $0x4000  }
0x229: {  	[sflag:s7] =	ssyncset.done $0x0  }
0x22a: {  	[sflag:s7] =	ssyncadd.s32 $0xFFFFC000  }
0x22b: {  	[tilespmem:s11], [sflag:$0x2] =	stream.linear.gather [hbm4b:s28+s2], $0x4000, $0x38;
	[tilespmem:$0x8080] =	vst v63  }
0x22c: {  	_ =	swait.ge [sflag:s9], $0x4000  }
0x22d: {  	[sflag:s9] =	ssyncset.done $0x0  }
0x22e: {  	[sflag:s9] =	ssyncadd.s32 $0xFFFFC000  }
0x22f: {  	[tilespmem:s2], [sflag:$0x1] =	stream.linear.gather [hbm4b:s26+s2], $0x4000, $0x38;
	[tilespmem:$0x8080] =	vst v63  }
0x230: {  	_ =	swait.ge [sflag:s7], $0x4000  }
0x231: {  	[sflag:s7] =	ssyncset.done $0x0  }
0x232: {  	[sflag:s7] =	ssyncadd.s32 $0xFFFFC000  }
0x233: {  	[tilespmem:s11], [sflag:$0x2] =	stream.linear.gather [hbm4b:s25+s2], $0x4000, $0x38;
	[tilespmem:$0x8080] =	vst v63  }
0x234: {  	_ =	swait.ge [sflag:s9], $0x4000  }
0x235: {  	[sflag:s9] =	ssyncset.done $0x0  }
0x236: {  	[sflag:s9] =	ssyncadd.s32 $0xFFFFC000  }
0x237: {  	[tilespmem:s2], [sflag:$0x1] =	stream.linear.gather [hbm4b:s24+s2], $0x4000, $0x38;
	[tilespmem:$0x8080] =	vst v63  }
0x238: {  	_ =	swait.ge [sflag:s7], $0x4000  }
0x239: {  	[sflag:s7] =	ssyncset.done $0x0  }
0x23a: {  	[sflag:s7] =	ssyncadd.s32 $0xFFFFC000  }
0x23b: {  	[tilespmem:s11], [sflag:$0x2] =	stream.linear.gather [hbm4b:s23+s2], $0x4000, $0x38;
	[tilespmem:$0x8080] =	vst v63  }
0x23c: {  	_ =	swait.ge [sflag:s9], $0x4000  }
0x23d: {  	[sflag:s9] =	ssyncset.done $0x0  }
0x23e: {  	[sflag:s9] =	ssyncadd.s32 $0xFFFFC000  }
0x23f: {  	[tilespmem:s2], [sflag:$0x1] =	stream.linear.gather [hbm4b:s22+s2], $0x4000, $0x38;
	[tilespmem:$0x8080] =	vst v63  }
0x240: {  	_ =	swait.ge [sflag:s7], $0x4000  }
0x241: {  	[sflag:s7] =	ssyncset.done $0x0  }
0x242: {  	[sflag:s7] =	ssyncadd.s32 $0xFFFFC000  }
0x243: {  	[tilespmem:s11], [sflag:$0x2] =	stream.linear.gather [hbm4b:s21+s2], $0x4000, $0x38;
	[tilespmem:$0x8080] =	vst v63  }
0x244: {  	_ =	swait.ge [sflag:s9], $0x4000  }
0x245: {  	[sflag:s9] =	ssyncset.done $0x0  }
0x246: {  	[sflag:s9] =	ssyncadd.s32 $0xFFFFC000  }
0x247: {  	[tilespmem:s2], [sflag:$0x1] =	stream.linear.gather [hbm4b:s20+s2], $0x4000, $0x38;
	[tilespmem:$0x8080] =	vst v63  }
0x248: {  	_ =	swait.ge [sflag:s7], $0x4000  }
0x249: {  	[sflag:s7] =	ssyncset.done $0x0  }
0x24a: {  	[sflag:s7] =	ssyncadd.s32 $0xFFFFC000  }
0x24b: {  	[tilespmem:s11], [sflag:$0x2] =	stream.linear.gather [hbm4b:s19+s2], $0x4000, $0x38;
	[tilespmem:$0x8080] =	vst v63  }
0x24c: {  	_ =	swait.ge [sflag:s9], $0x4000  }
0x24d: {  	[sflag:s9] =	ssyncset.done $0x0  }
0x24e: {  	[sflag:s9] =	ssyncadd.s32 $0xFFFFC000  }
0x24f: {  	[tilespmem:s2], [sflag:$0x1] =	stream.linear.gather [hbm4b:s18+s2], $0x4000, $0x38;
	[tilespmem:$0x8080] =	vst v63  }
0x250: {  	_ =	swait.ge [sflag:s7], $0x4000  }
0x251: {  	[sflag:s7] =	ssyncset.done $0x0  }
0x252: {  	[sflag:s7] =	ssyncadd.s32 $0xFFFFC000  }
0x253: {  	[tilespmem:s11], [sflag:$0x2] =	stream.linear.gather [hbm4b:s17+s2], $0x4000, $0x38;
	[tilespmem:$0x8080] =	vst v63  }
0x254: {  	_ =	swait.ge [sflag:s9], $0x4000  }
0x255: {  	[sflag:s9] =	ssyncset.done $0x0  }
0x256: {  	[sflag:s9] =	ssyncadd.s32 $0xFFFFC000  }
0x257: {  	[tilespmem:s2], [sflag:$0x1] =	stream.linear.gather [hbm4b:s16+s2], $0x4000, $0x38;
	[tilespmem:$0x8080] =	vst v63  }
0x258: {  	_ =	swait.ge [sflag:s7], $0x4000  }
0x259: {  	[sflag:s7] =	ssyncset.done $0x0  }
0x25a: {  	[sflag:s7] =	ssyncadd.s32 $0xFFFFC000  }
0x25b: {  	[tilespmem:s11], [sflag:$0x2] =	stream.linear.gather [hbm4b:s15+s2], $0x4000, $0x38;
	[tilespmem:$0x8080] =	vst v63  }
0x25c: {  	_ =	swait.ge [sflag:s9], $0x4000  }
0x25d: {  	[sflag:s9] =	ssyncset.done $0x0  }
0x25e: {  	[sflag:s9] =	ssyncadd.s32 $0xFFFFC000  }
0x25f: {  	[tilespmem:s2], [sflag:$0x1] =	stream.linear.gather [hbm4b:s14+s2], $0x4000, $0x38;
	[tilespmem:$0x8080] =	vst v63  }
0x260: {  	_ =	swait.ge [sflag:s7], $0x4000  }
0x261: {  	[sflag:s7] =	ssyncset.done $0x0  }
0x262: {  	[sflag:s7] =	ssyncadd.s32 $0xFFFFC000  }
0x263: {  	[tilespmem:s11], [sflag:$0x2] =	stream.linear.gather [hbm4b:s13+s2], $0x4000, $0x38;
	[tilespmem:$0x8080] =	vst v63  }
0x264: {  	_ =	swait.ge [sflag:s9], $0x4000  }
0x265: {  	[sflag:s9] =	ssyncset.done $0x0  }
0x266: {  	[sflag:s9] =	ssyncadd.s32 $0xFFFFC000  }
0x267: {  	[tilespmem:s2], [sflag:$0x1] =	stream.linear.gather [hbm4b:s12+s2], $0x4000, $0x38;
	[tilespmem:$0x8080] =	vst v63  }
0x268: {  	_ =	swait.ge [sflag:s7], $0x4000  }
0x269: {  	[sflag:s7] =	ssyncset.done $0x0  }
0x26a: {  	[sflag:s7] =	ssyncadd.s32 $0xFFFFC000  }
0x26b: {  	[tilespmem:s11], [sflag:$0x2] =	stream.linear.gather [hbm4b:s10+s2], $0x4000, $0x38;
	[tilespmem:$0x8080] =	vst v63  }
0x26c: {  	_ =	swait.ge [sflag:s9], $0x4000  }
0x26d: {  	[sflag:s9] =	ssyncset.done $0x0  }
0x26e: {  	[sflag:s9] =	ssyncadd.s32 $0xFFFFC000  }
0x26f: {  	[tilespmem:s2], [sflag:$0x1] =	stream.linear.gather [hbm4b:s8+s2], $0x4000, $0x38;
	[tilespmem:$0x8080] =	vst v63  }
0x270: {  	_ =	swait.ge [sflag:s7], $0x4000  }
0x271: {  	[sflag:s7] =	ssyncset.done $0x0  }
0x272: {  	[sflag:s7] =	ssyncadd.s32 $0xFFFFC000  }
0x273: {  	[tilespmem:s11], [sflag:$0x2] =	stream.linear.gather [hbm4b:s5+s2], $0x4000, $0x38;
	[tilespmem:$0x8080] =	vst v63  }
0x274: {  	_ =	swait.ge [sflag:s9], $0x4000  }
0x275: {  	[sflag:s9] =	ssyncset.done $0x0  }
0x276: {  	[sflag:s9] =	ssyncadd.s32 $0xFFFFC000  }
0x277: {  	_ =	swait.ge [sflag:s7], $0x4000  }
0x278: {  	[sflag:s7] =	ssyncset.done $0x0  }
0x279: {  	[sflag:s7] =	ssyncadd.s32 $0xFFFFC000  }
0x27a: {  	v0 =	vld [tilespmem:$0x0];
	_ =	sdelay $0x4  }
0x27b: {  	[tilespmem:$0x8000] =	vst v0  }
0x27c: {  	[hbm4b:s3+s2] =	stream.linear.scatter [tilespmem:s6], [sflag:$0x3], $0x10, $0x38;
	[tilespmem:$0x8080] =	vst v63  }
0x27d: {  	_ =	swait.ge [sflag:s4], $0x10  }
0x27e: {  	[sflag:s4] =	ssyncset.done $0x0  }
0x27f: {  	[sflag:s4] =	ssyncadd.s32 $0xFFFFFFF0  }
0x280: {  	_ =	sfence.sel $0x180000  }
0x281: {  	[bflag:$0x0] =	sbarrier.arrive $0xFFFF  }
0x282: {  	_ =	strace $0x90000047  }
0x283: {  	s31 =	stileid.u32;
	[bflag:$0x2] =	sbarrier.arrive $0xFFFF  }
0x284: {  	p0 =	sne.s32 s31, $0x0;
	s0 =	rddreg [dreg:$0x1]  }
0x285: {  	s0 =	sadd.s32 @!p0 $0x100000, s0  }
0x286: {  	[sflag:s0] =	ssyncadd.tile.s32 @!p0 $0x1;
	_ =	shalt  }
.Lfunc_end2:
_tile_overlayer_lowered:
.L_overlay_start_2:
0x287: {  	(tag) =	ssettag $0x2  }
0x288: {  	s0 =	rddreg [dreg:$0x0];
	s2 =	stileid.u32  }
0x289: {  	s1 =	rddreg [dreg:$0x1];
	p0 =	sne.s32 s2, $0x0  }
0x28a: {  	s3 =	rddreg [dreg:$0x2];
	[bflag:$0x3] =	sbarrier.arrive $0xFFFF;
	s2 =	simm.s32 @!p0 $0x1C03  }
0x28b: {  	[timem:s3], [sflag:s2] =	dma.local @!p0 [hbm:s0], s1  }
0x28c: {  	s0 =	simm.s32 @!p0 $0x3  }
0x28d: {  	_ =	swait.ge @!p0 [sflag:s0], s1  }
0x28e: {  	s1 =	ssub.s32 @!p0 $0x0, s1;
	[sflag:s0] =	ssyncset.done @!p0 $0x0  }
0x28f: {  	[sflag:s0] =	ssyncadd.s32 @!p0 s1  }
0x290: {  	[bflag:$0x3] =	sbarrier.arrive $0xFFFF  }
0x291: {  	_ =	shalt  }

</sc_bundles>
